<compile_context>
chip_gen: v7x
topology: tpu7x:2x2x1
jax: 0.10.2.dev20260603
libtpu: 0.0.44.dev20260713+nightly
codegen_flags: <defaults>
</compile_context>

<pallas_src>
import functools

import jax
import jax.numpy as jnp
from jax import lax
from jax.experimental import pallas as pl
from jax.experimental.pallas import tpu as pltpu
from jax.experimental.pallas import tpu_sc as plsc

NUM_REGIMES = 3
EMBED_DIM = 32
EPS = 1e-5

_NC = 2
_NS = 16
_NW = _NC * _NS

_L = 200
_B = 16384
_BANDS = EMBED_DIM // 8
_BANDF = 128 * 8 * 128
_GW = _NW // _BANDS
_BW = _B // _GW
_ROWBUF = _BW * 8


def _ln_body(t_ref, w_ref, b_ref, o_ref):
    t = t_ref[:]
    m = jnp.mean(t, axis=1, keepdims=True)
    c = t - m
    v = jnp.mean(c * c, axis=1, keepdims=True)
    o_ref[:] = c * lax.rsqrt(v + EPS) * w_ref[:] + b_ref[:]


def _normalize_table(table, ln_weight, ln_bias):
    return pl.pallas_call(
        _ln_body,
        out_shape=jax.ShapeDtypeStruct((NUM_REGIMES, EMBED_DIM), jnp.float32),
    )(table, ln_weight.reshape(1, EMBED_DIM), ln_bias.reshape(1, EMBED_DIM))


def _make_sc_select():
    mesh = plsc.VectorSubcoreMesh(
        core_axis_name="c", subcore_axis_name="s", num_cores=_NC, num_subcores=_NS
    )

    @functools.partial(
        pl.kernel,
        out_type=jax.ShapeDtypeStruct((_L * _BANDS * _BANDF,), jnp.float32),
        mesh=mesh,
        scratch_types=[
            pltpu.VMEM((96 * 16,), jnp.float32),
            pltpu.VMEM((2, _BW), jnp.int32),
            pltpu.VMEM((2, _ROWBUF), jnp.float32),
            pltpu.SemaphoreType.DMA((2,)),
            pltpu.SemaphoreType.DMA((2,)),
        ],
    )
    def sc_select(nt_hbm, xt_hbm, out_hbm, nt_v, idx_v, rows_v, isem, osem):
        wid = lax.axis_index("s") * _NC + lax.axis_index("c")
        band = wid % _BANDS
        grp = wid // _BANDS
        b0 = grp * _BW
        pltpu.sync_copy(nt_hbm, nt_v)
        pltpu.sync_copy(xt_hbm.at[0, pl.ds(b0, _BW)], idx_v.at[0])

        def do_l(l, b):
            @pl.when(l + 1 < _L)
            def _pref():
                pltpu.async_copy(
                    xt_hbm.at[l + 1, pl.ds(b0, _BW)], idx_v.at[1 - b],
                    isem.at[1 - b],
                )

            @pl.when(l >= 2)
            def _reclaim():
                pltpu.make_async_copy(
                    rows_v.at[b],
                    out_hbm.at[pl.ds(0, _ROWBUF)],
                    osem.at[b],
                ).wait()

            @pl.when(l > 0)
            def _wait_idx():
                pltpu.make_async_copy(
                    xt_hbm.at[0, pl.ds(0, _BW)], idx_v.at[b], isem.at[b]
                ).wait()

            sp = []
            for j in range(8):
                doff = band * 128 + j * 16
                sp.append((
                    nt_v[pl.ds(doff, 16)],
                    nt_v[pl.ds(512 + doff, 16)],
                    nt_v[pl.ds(1024 + doff, 16)],
                ))

            @plsc.parallel_loop(0, _BW // 16, 1, unroll=2)
            def _do_bb(bb, _sp=sp):
                iv = idx_v.at[b][pl.ds(bb * 16, 16)]
                m0 = iv == 0
                m1 = iv == 1
                base = (bb // 8) * 1024 + (bb % 8) * 16
                for j in range(8):
                    s0, s1, s2 = _sp[j]
                    rows_v.at[b][pl.ds(base + j * 128, 16)] = jnp.where(
                        m0, s0, jnp.where(m1, s1, s2)
                    )

            pltpu.async_copy(
                rows_v.at[b],
                out_hbm.at[
                    pl.ds(
                        l * (_BANDS * _BANDF) + band * _BANDF + grp * _ROWBUF,
                        _ROWBUF,
                    )
                ],
                osem.at[b],
            )

        def pair(k, carry):
            for b in range(2):
                do_l(k * 2 + b, b)
            return carry

        lax.fori_loop(0, _L // 2, pair, 0)
        for b in range(2):
            pltpu.make_async_copy(
                rows_v.at[b], out_hbm.at[pl.ds(0, _ROWBUF)], osem.at[b]
            ).wait()

    return sc_select


@jax.jit
def _run(x, table, ln_weight, ln_bias):
    if x.ndim == 3:
        x = jnp.squeeze(x, axis=-1)
    nt = _normalize_table(table, ln_weight, ln_bias)
    spl = jnp.broadcast_to(nt.reshape(96, 1), (96, 16)).reshape(96 * 16)
    xt = jnp.swapaxes(x.astype(jnp.int32), 0, 1)
    out = _make_sc_select()(spl, xt)
    out5 = out.reshape(_L, _BANDS, 128, 8, 128)
    return out5.transpose(2, 4, 0, 1, 3).reshape(_B, _L, EMBED_DIM)


def kernel(x, table, ln_weight, ln_bias):
    return _run(x, table, ln_weight, ln_bias)

# --- scband reference (transcript-rebuilt; emitter-appended) ---
"""Pipeline reference for scband-regime-encoder-14508399526644 (READ-ONLY COPY).

The authoritative reference and input builder live on the scoring server;
editing this copy changes nothing except your own understanding.
"""

import jax, jax.numpy as jnp
import numpy as np

NUM_REGIMES = 3
EMBED_DIM = 32
EPS = 1e-5

def setup_inputs(seed: int = 0) -> dict:
    key = jax.random.key(seed)
    k_idx, k_tab = jax.random.split(key)
    x = jax.random.randint(k_idx, (16384, 200), 0, NUM_REGIMES, dtype=jnp.int64 if jax.config.jax_enable_x64 else jnp.int32)
    table = jax.random.normal(k_tab, (NUM_REGIMES, EMBED_DIM), dtype=jnp.float32)
    ln_weight = jnp.ones((EMBED_DIM,), dtype=jnp.float32)
    ln_bias = jnp.zeros((EMBED_DIM,), dtype=jnp.float32)
    return {"x": x, "table": table, "ln_weight": ln_weight, "ln_bias": ln_bias}

def reference(x, table, ln_weight, ln_bias):
    # x may be [B, L] or [B, L, 1]; squeeze trailing singleton like torch .squeeze(-1)
    if x.ndim == 3:
        x = jnp.squeeze(x, axis=-1)
    # embedding lookup (gather)
    embedded = jnp.take(table, x, axis=0)  # [B, L, D]
    # LayerNorm over last dim
    mean = jnp.mean(embedded, axis=-1, keepdims=True)
    var = jnp.mean(jnp.square(embedded - mean), axis=-1, keepdims=True)
    normed = (embedded - mean) / jnp.sqrt(var + EPS)
    out = normed * ln_weight + ln_bias
    return out

if __name__ == "__main__":
    import jax
    _d = setup_inputs()
    print(jax.jit(kernel)(*tuple(_d.values())))

</pallas_src>

<mosaic_0001>
#map = affine_map<(d0, d1) -> (0)>
#map1 = affine_map<(d0, d1) -> (0, 0)>
module attributes {stable_mosaic.version = 14 : i64} {
  func.func @sc_select(%arg0: i32, %arg1: i32, %arg2: memref<1536xf32, #tpu.memory_space<hbm>>, %arg3: memref<200x16384xi32, #tpu.memory_space<hbm>>, %arg4: memref<104857600xf32, #tpu.memory_space<hbm>>, %arg5: memref<1536xf32, #tpu.memory_space<vmem>>, %arg6: memref<2x2048xi32, #tpu.memory_space<vmem>>, %arg7: memref<2x16384xf32, #tpu.memory_space<vmem>>, %arg8: memref<2x!tpu.dma_semaphore, #tpu.memory_space<semaphore_mem>>, %arg9: memref<2x!tpu.dma_semaphore, #tpu.memory_space<semaphore_mem>>) attributes {dimension_semantics = [#tpu.dimension_semantics<core_parallel>, #tpu.dimension_semantics<subcore_parallel>], iteration_bounds = array<i64: 2, 16>, scalar_prefetch = 0 : i64, scratch_operands = 5 : i64, tpu.core_type = #tpu.core_type<sc_vector_subcore>, window_params = [{transform_indices = #map}, {transform_indices = #map1}, {transform_indices = #map}]} {
    %mul3A = arith.constant 2 : i32
    %mul3A_0 = arith.muli %arg1, %mul3A : i32
    %add3A = arith.addi %mul3A_0, %arg0 : i32
    %jit3A = arith.constant 4 : i32
    %eq3A = arith.constant 0 : i32
    %eq3A_1 = arith.cmpi eq, %jit3A, %eq3A : i32
    %jit3A_2 = arith.constant 1 : i32
    %select_n3A = arith.select %eq3A_1, %jit3A_2, %jit3A : i32
    %rem3A = arith.remsi %add3A, %select_n3A : i32
    %ne3A = arith.constant 0 : i32
    %ne3A_3 = arith.cmpi ne, %rem3A, %ne3A : i32
    %lt3A = arith.constant 0 : i32
    %lt3A_4 = arith.cmpi slt, %rem3A, %lt3A : i32
    %lt3A_5 = arith.constant 0 : i32
    %lt3A_6 = arith.cmpi slt, %select_n3A, %lt3A_5 : i32
    %ne3A_7 = arith.xori %lt3A_4, %lt3A_6 : i1
    %and3A = arith.andi %ne3A_7, %ne3A_3 : i1
    %add3A_8 = arith.addi %rem3A, %select_n3A : i32
    %select_n3A_9 = arith.select %and3A, %add3A_8, %rem3A : i32
    %jit3A_10 = arith.constant 4 : i32
    %div3A = arith.divsi %add3A, %jit3A_10 : i32
    %sign3A = arith.constant 0 : i32
    %sign3A_11 = arith.cmpi sgt, %add3A, %sign3A : i32
    %sign3A_12 = arith.extui %sign3A_11 : i1 to i32
    %sign3A_13 = arith.constant 0 : i32
    %sign3A_14 = arith.cmpi slt, %add3A, %sign3A_13 : i32
    %sign3A_15 = arith.extui %sign3A_14 : i1 to i32
    %sign3A_16 = arith.subi %sign3A_12, %sign3A_15 : i32
    %sign3A_17 = arith.constant 0 : i32
    %sign3A_18 = arith.cmpi sgt, %jit3A_10, %sign3A_17 : i32
    %sign3A_19 = arith.extui %sign3A_18 : i1 to i32
    %sign3A_20 = arith.constant 0 : i32
    %sign3A_21 = arith.cmpi slt, %jit3A_10, %sign3A_20 : i32
    %sign3A_22 = arith.extui %sign3A_21 : i1 to i32
    %sign3A_23 = arith.subi %sign3A_19, %sign3A_22 : i32
    %ne3A_24 = arith.cmpi ne, %sign3A_16, %sign3A_23 : i32
    %rem3A_25 = arith.remsi %add3A, %jit3A_10 : i32
    %ne3A_26 = arith.constant 0 : i32
    %ne3A_27 = arith.cmpi ne, %rem3A_25, %ne3A_26 : i32
    %and3A_28 = arith.andi %ne3A_24, %ne3A_27 : i1
    %sub3A = arith.constant 1 : i32
    %sub3A_29 = arith.subi %div3A, %sub3A : i32
    %select_n3A_30 = arith.select %and3A_28, %sub3A_29, %div3A : i32
    %mul3A_31 = arith.constant 2048 : i32
    %mul3A_32 = arith.muli %select_n3A_30, %mul3A_31 : i32
    "tpu.region"() ({
      %run_scoped3A_66 = tpu.sem_alloc : memref<!tpu.dma_semaphore, #tpu.memory_space<semaphore_mem>>
      tpu.enqueue_dma source(%arg2 : memref<1536xf32, #tpu.memory_space<hbm>>) target(%arg5 : memref<1536xf32, #tpu.memory_space<vmem>>) target_semaphore(%run_scoped3A_66 : memref<!tpu.dma_semaphore, #tpu.memory_space<semaphore_mem>>)
      tpu.wait_dma2 semaphore(%run_scoped3A_66 : memref<!tpu.dma_semaphore, #tpu.memory_space<semaphore_mem>>) src(%arg2 : memref<1536xf32, #tpu.memory_space<hbm>>) dst(%arg5 : memref<1536xf32, #tpu.memory_space<vmem>>)
      tpu.yield
    }) : () -> ()
    %run_scoped3A = arith.constant 0 : i32
    %run_scoped3A_33 = arith.constant 0 : i32
    "tpu.region"() ({
      %run_scoped3A_66 = tpu.sem_alloc : memref<!tpu.dma_semaphore, #tpu.memory_space<semaphore_mem>>
      %dma_start3A = arith.constant 0 : i32
      %dma_start3A_67 = tpu.memref_slice %arg6[%run_scoped3A_33, %dma_start3A] : memref<2x2048xi32, #tpu.memory_space<vmem>> -> memref<1x2048xi32, #tpu.memory_space<vmem>>
      %dma_start3A_68 = tpu.memref_squeeze %dma_start3A_67 : memref<1x2048xi32, #tpu.memory_space<vmem>> -> memref<2048xi32, #tpu.memory_space<vmem>>
      %dma_start3A_69 = tpu.memref_slice %arg3[%run_scoped3A, %mul3A_32] : memref<200x16384xi32, #tpu.memory_space<hbm>> -> memref<1x2048xi32, #tpu.memory_space<hbm>>
      %dma_start3A_70 = tpu.memref_squeeze %dma_start3A_69 : memref<1x2048xi32, #tpu.memory_space<hbm>> -> memref<2048xi32, #tpu.memory_space<hbm>>
      %dma_start3A_71 = arith.constant 0 : i32
      %dma_start3A_72 = tpu.memref_slice %arg6[%run_scoped3A_33, %dma_start3A_71] : memref<2x2048xi32, #tpu.memory_space<vmem>> -> memref<1x2048xi32, #tpu.memory_space<vmem>>
      %dma_start3A_73 = tpu.memref_squeeze %dma_start3A_72 : memref<1x2048xi32, #tpu.memory_space<vmem>> -> memref<2048xi32, #tpu.memory_space<vmem>>
      %dma_start3A_74 = tpu.memref_slice %arg3[%run_scoped3A, %mul3A_32] : memref<200x16384xi32, #tpu.memory_space<hbm>> -> memref<1x2048xi32, #tpu.memory_space<hbm>>
      %dma_start3A_75 = tpu.memref_squeeze %dma_start3A_74 : memref<1x2048xi32, #tpu.memory_space<hbm>> -> memref<2048xi32, #tpu.memory_space<hbm>>
      tpu.enqueue_dma source(%dma_start3A_75 : memref<2048xi32, #tpu.memory_space<hbm>>) target(%dma_start3A_73 : memref<2048xi32, #tpu.memory_space<vmem>>) target_semaphore(%run_scoped3A_66 : memref<!tpu.dma_semaphore, #tpu.memory_space<semaphore_mem>>)
      %dma_wait3A_76 = arith.constant 0 : i32
      %dma_wait3A_77 = tpu.memref_slice %arg6[%run_scoped3A_33, %dma_wait3A_76] : memref<2x2048xi32, #tpu.memory_space<vmem>> -> memref<1x2048xi32, #tpu.memory_space<vmem>>
      %dma_wait3A_78 = tpu.memref_squeeze %dma_wait3A_77 : memref<1x2048xi32, #tpu.memory_space<vmem>> -> memref<2048xi32, #tpu.memory_space<vmem>>
      %dma_wait3A_79 = tpu.memref_slice %arg3[%run_scoped3A, %mul3A_32] : memref<200x16384xi32, #tpu.memory_space<hbm>> -> memref<1x2048xi32, #tpu.memory_space<hbm>>
      %dma_wait3A_80 = tpu.memref_squeeze %dma_wait3A_79 : memref<1x2048xi32, #tpu.memory_space<hbm>> -> memref<2048xi32, #tpu.memory_space<hbm>>
      %dma_wait3A_81 = arith.constant 0 : i32
      %dma_wait3A_82 = tpu.memref_slice %arg6[%run_scoped3A_33, %dma_wait3A_81] : memref<2x2048xi32, #tpu.memory_space<vmem>> -> memref<1x2048xi32, #tpu.memory_space<vmem>>
      %dma_wait3A_83 = tpu.memref_squeeze %dma_wait3A_82 : memref<1x2048xi32, #tpu.memory_space<vmem>> -> memref<2048xi32, #tpu.memory_space<vmem>>
      %dma_wait3A_84 = tpu.memref_slice %arg3[%run_scoped3A, %mul3A_32] : memref<200x16384xi32, #tpu.memory_space<hbm>> -> memref<1x2048xi32, #tpu.memory_space<hbm>>
      %dma_wait3A_85 = tpu.memref_squeeze %dma_wait3A_84 : memref<1x2048xi32, #tpu.memory_space<hbm>> -> memref<2048xi32, #tpu.memory_space<hbm>>
      tpu.wait_dma2 semaphore(%run_scoped3A_66 : memref<!tpu.dma_semaphore, #tpu.memory_space<semaphore_mem>>) src(%dma_wait3A_85 : memref<2048xi32, #tpu.memory_space<hbm>>) dst(%dma_wait3A_83 : memref<2048xi32, #tpu.memory_space<vmem>>)
      tpu.yield
    }) : () -> ()
    %scan3A = arith.constant 0 : i32
    %scan3A_34 = arith.constant 0 : i32
    %scan3A_35 = arith.constant 100 : i32
    %scan3A_36 = arith.addi %scan3A_34, %scan3A_35 : i32
    %scan3A_37 = arith.constant 1 : i32
    scf.for %scan3A_66 = %scan3A_34 to %scan3A_36 step %scan3A_37  : i32 {
      %mul3A_67 = arith.constant 2 : i32
      %mul3A_68 = arith.muli %scan3A_66, %mul3A_67 : i32
      %add3A_69 = arith.constant 0 : i32
      %add3A_70 = arith.addi %mul3A_68, %add3A_69 : i32
      %add3A_71 = arith.constant 1 : i32
      %add3A_72 = arith.addi %add3A_70, %add3A_71 : i32
      %lt3A_73 = arith.constant 200 : i32
      %lt3A_74 = arith.cmpi slt, %add3A_72, %lt3A_73 : i32
      %convert_element_type3A = arith.extui %lt3A_74 : i1 to i32
      %cond3A = arith.constant 0 : i32
      %cond3A_75 = arith.cmpi ne, %convert_element_type3A, %cond3A : i32
      scf.if %cond3A_75 {
        %add3A_420 = arith.constant 1 : i32
        %add3A_421 = arith.addi %add3A_70, %add3A_420 : i32
        %dma_start3A_422 = arith.constant 1 : i32
        %dma_start3A_423 = arith.constant 1 : i32
        %dma_start3A_424 = arith.constant 0 : i32
        %dma_start3A_425 = tpu.memref_slice %arg6[%dma_start3A_422, %dma_start3A_424] : memref<2x2048xi32, #tpu.memory_space<vmem>> -> memref<1x2048xi32, #tpu.memory_space<vmem>>
        %dma_start3A_426 = tpu.memref_squeeze %dma_start3A_425 : memref<1x2048xi32, #tpu.memory_space<vmem>> -> memref<2048xi32, #tpu.memory_space<vmem>>
        %dma_start3A_427 = tpu.memref_slice %arg3[%add3A_421, %mul3A_32] : memref<200x16384xi32, #tpu.memory_space<hbm>> -> memref<1x2048xi32, #tpu.memory_space<hbm>>
        %dma_start3A_428 = tpu.memref_squeeze %dma_start3A_427 : memref<1x2048xi32, #tpu.memory_space<hbm>> -> memref<2048xi32, #tpu.memory_space<hbm>>
        %dma_start3A_429 = tpu.memref_slice %arg8[%dma_start3A_423] : memref<2x!tpu.dma_semaphore, #tpu.memory_space<semaphore_mem>> -> memref<1x!tpu.dma_semaphore, #tpu.memory_space<semaphore_mem>>
        %dma_start3A_430 = tpu.memref_squeeze %dma_start3A_429 : memref<1x!tpu.dma_semaphore, #tpu.memory_space<semaphore_mem>> -> memref<!tpu.dma_semaphore, #tpu.memory_space<semaphore_mem>>
        %dma_start3A_431 = arith.constant 0 : i32
        %dma_start3A_432 = tpu.memref_slice %arg6[%dma_start3A_422, %dma_start3A_431] : memref<2x2048xi32, #tpu.memory_space<vmem>> -> memref<1x2048xi32, #tpu.memory_space<vmem>>
        %dma_start3A_433 = tpu.memref_squeeze %dma_start3A_432 : memref<1x2048xi32, #tpu.memory_space<vmem>> -> memref<2048xi32, #tpu.memory_space<vmem>>
        %dma_start3A_434 = tpu.memref_slice %arg3[%add3A_421, %mul3A_32] : memref<200x16384xi32, #tpu.memory_space<hbm>> -> memref<1x2048xi32, #tpu.memory_space<hbm>>
        %dma_start3A_435 = tpu.memref_squeeze %dma_start3A_434 : memref<1x2048xi32, #tpu.memory_space<hbm>> -> memref<2048xi32, #tpu.memory_space<hbm>>
        tpu.enqueue_dma source(%dma_start3A_435 : memref<2048xi32, #tpu.memory_space<hbm>>) target(%dma_start3A_433 : memref<2048xi32, #tpu.memory_space<vmem>>) target_semaphore(%dma_start3A_430 : memref<!tpu.dma_semaphore, #tpu.memory_space<semaphore_mem>>)
      } else {
      }
      %ge3A = arith.constant 2 : i32
      %ge3A_76 = arith.cmpi sge, %add3A_70, %ge3A : i32
      %convert_element_type3A_77 = arith.extui %ge3A_76 : i1 to i32
      %cond3A_78 = arith.constant 0 : i32
      %cond3A_79 = arith.cmpi ne, %convert_element_type3A_77, %cond3A_78 : i32
      scf.if %cond3A_79 {
        %dma_wait3A_420 = arith.constant 0 : i32
        %dma_wait3A_421 = arith.constant 0 : i32
        %dma_wait3A_422 = arith.constant 0 : i32
        %dma_wait3A_423 = tpu.memref_slice %arg7[%dma_wait3A_420, %dma_wait3A_422] : memref<2x16384xf32, #tpu.memory_space<vmem>> -> memref<1x16384xf32, #tpu.memory_space<vmem>>
        %dma_wait3A_424 = tpu.memref_squeeze %dma_wait3A_423 : memref<1x16384xf32, #tpu.memory_space<vmem>> -> memref<16384xf32, #tpu.memory_space<vmem>>
        %dma_wait3A_425 = arith.constant 0 : i32
        %dma_wait3A_426 = tpu.memref_slice %arg4[%dma_wait3A_425] : memref<104857600xf32, #tpu.memory_space<hbm>> -> memref<16384xf32, #tpu.memory_space<hbm>>
        %dma_wait3A_427 = tpu.memref_slice %arg9[%dma_wait3A_421] : memref<2x!tpu.dma_semaphore, #tpu.memory_space<semaphore_mem>> -> memref<1x!tpu.dma_semaphore, #tpu.memory_space<semaphore_mem>>
        %dma_wait3A_428 = tpu.memref_squeeze %dma_wait3A_427 : memref<1x!tpu.dma_semaphore, #tpu.memory_space<semaphore_mem>> -> memref<!tpu.dma_semaphore, #tpu.memory_space<semaphore_mem>>
        %dma_wait3A_429 = arith.constant 0 : i32
        %dma_wait3A_430 = tpu.memref_slice %arg4[%dma_wait3A_429] : memref<104857600xf32, #tpu.memory_space<hbm>> -> memref<16384xf32, #tpu.memory_space<hbm>>
        %dma_wait3A_431 = arith.constant 0 : i32
        %dma_wait3A_432 = tpu.memref_slice %arg7[%dma_wait3A_420, %dma_wait3A_431] : memref<2x16384xf32, #tpu.memory_space<vmem>> -> memref<1x16384xf32, #tpu.memory_space<vmem>>
        %dma_wait3A_433 = tpu.memref_squeeze %dma_wait3A_432 : memref<1x16384xf32, #tpu.memory_space<vmem>> -> memref<16384xf32, #tpu.memory_space<vmem>>
        tpu.wait_dma2 semaphore(%dma_wait3A_428 : memref<!tpu.dma_semaphore, #tpu.memory_space<semaphore_mem>>) src(%dma_wait3A_433 : memref<16384xf32, #tpu.memory_space<vmem>>) dst(%dma_wait3A_430 : memref<16384xf32, #tpu.memory_space<hbm>>)
      } else {
      }
      %gt3A = arith.constant 0 : i32
      %gt3A_80 = arith.cmpi sgt, %add3A_70, %gt3A : i32
      %convert_element_type3A_81 = arith.extui %gt3A_80 : i1 to i32
      %cond3A_82 = arith.constant 0 : i32
      %cond3A_83 = arith.cmpi ne, %convert_element_type3A_81, %cond3A_82 : i32
      scf.if %cond3A_83 {
        %dma_wait3A_420 = arith.constant 0 : i32
        %dma_wait3A_421 = arith.constant 0 : i32
        %dma_wait3A_422 = arith.constant 0 : i32
        %dma_wait3A_423 = arith.constant 0 : i32
        %dma_wait3A_424 = tpu.memref_slice %arg6[%dma_wait3A_421, %dma_wait3A_423] : memref<2x2048xi32, #tpu.memory_space<vmem>> -> memref<1x2048xi32, #tpu.memory_space<vmem>>
        %dma_wait3A_425 = tpu.memref_squeeze %dma_wait3A_424 : memref<1x2048xi32, #tpu.memory_space<vmem>> -> memref<2048xi32, #tpu.memory_space<vmem>>
        %dma_wait3A_426 = arith.constant 0 : i32
        %dma_wait3A_427 = tpu.memref_slice %arg3[%dma_wait3A_420, %dma_wait3A_426] : memref<200x16384xi32, #tpu.memory_space<hbm>> -> memref<1x2048xi32, #tpu.memory_space<hbm>>
        %dma_wait3A_428 = tpu.memref_squeeze %dma_wait3A_427 : memref<1x2048xi32, #tpu.memory_space<hbm>> -> memref<2048xi32, #tpu.memory_space<hbm>>
        %dma_wait3A_429 = tpu.memref_slice %arg8[%dma_wait3A_422] : memref<2x!tpu.dma_semaphore, #tpu.memory_space<semaphore_mem>> -> memref<1x!tpu.dma_semaphore, #tpu.memory_space<semaphore_mem>>
        %dma_wait3A_430 = tpu.memref_squeeze %dma_wait3A_429 : memref<1x!tpu.dma_semaphore, #tpu.memory_space<semaphore_mem>> -> memref<!tpu.dma_semaphore, #tpu.memory_space<semaphore_mem>>
        %dma_wait3A_431 = arith.constant 0 : i32
        %dma_wait3A_432 = tpu.memref_slice %arg6[%dma_wait3A_421, %dma_wait3A_431] : memref<2x2048xi32, #tpu.memory_space<vmem>> -> memref<1x2048xi32, #tpu.memory_space<vmem>>
        %dma_wait3A_433 = tpu.memref_squeeze %dma_wait3A_432 : memref<1x2048xi32, #tpu.memory_space<vmem>> -> memref<2048xi32, #tpu.memory_space<vmem>>
        %dma_wait3A_434 = arith.constant 0 : i32
        %dma_wait3A_435 = tpu.memref_slice %arg3[%dma_wait3A_420, %dma_wait3A_434] : memref<200x16384xi32, #tpu.memory_space<hbm>> -> memref<1x2048xi32, #tpu.memory_space<hbm>>
        %dma_wait3A_436 = tpu.memref_squeeze %dma_wait3A_435 : memref<1x2048xi32, #tpu.memory_space<hbm>> -> memref<2048xi32, #tpu.memory_space<hbm>>
        tpu.wait_dma2 semaphore(%dma_wait3A_430 : memref<!tpu.dma_semaphore, #tpu.memory_space<semaphore_mem>>) src(%dma_wait3A_436 : memref<2048xi32, #tpu.memory_space<hbm>>) dst(%dma_wait3A_433 : memref<2048xi32, #tpu.memory_space<vmem>>)
      } else {
      }
      %mul3A_84 = arith.constant 128 : i32
      %mul3A_85 = arith.muli %select_n3A_9, %mul3A_84 : i32
      %add3A_86 = arith.constant 0 : i32
      %add3A_87 = arith.addi %mul3A_85, %add3A_86 : i32
      %get3A = arith.index_cast %add3A_87 : i32 to index
      %get3A_88 = tpu.vector_load %arg5[%get3A] {strides = array<i32>} : memref<1536xf32, #tpu.memory_space<vmem>>, vector<16xf32>,
      %get3A_89 = vector.shape_cast %get3A_88 : vector<16xf32> to vector<16xf32>
      %add3A_90 = arith.constant 512 : i32
      %add3A_91 = arith.addi %add3A_90, %add3A_87 : i32
      %get3A_92 = arith.index_cast %add3A_91 : i32 to index
      %get3A_93 = tpu.vector_load %arg5[%get3A_92] {strides = array<i32>} : memref<1536xf32, #tpu.memory_space<vmem>>, vector<16xf32>,
      %get3A_94 = vector.shape_cast %get3A_93 : vector<16xf32> to vector<16xf32>
      %add3A_95 = arith.constant 1024 : i32
      %add3A_96 = arith.addi %add3A_95, %add3A_87 : i32
      %get3A_97 = arith.index_cast %add3A_96 : i32 to index
      %get3A_98 = tpu.vector_load %arg5[%get3A_97] {strides = array<i32>} : memref<1536xf32, #tpu.memory_space<vmem>>, vector<16xf32>,
      %get3A_99 = vector.shape_cast %get3A_98 : vector<16xf32> to vector<16xf32>
      %mul3A_100 = arith.constant 128 : i32
      %mul3A_101 = arith.muli %select_n3A_9, %mul3A_100 : i32
      %add3A_102 = arith.constant 16 : i32
      %add3A_103 = arith.addi %mul3A_101, %add3A_102 : i32
      %get3A_104 = arith.index_cast %add3A_103 : i32 to index
      %get3A_105 = tpu.vector_load %arg5[%get3A_104] {strides = array<i32>} : memref<1536xf32, #tpu.memory_space<vmem>>, vector<16xf32>,
      %get3A_106 = vector.shape_cast %get3A_105 : vector<16xf32> to vector<16xf32>
      %add3A_107 = arith.constant 512 : i32
      %add3A_108 = arith.addi %add3A_107, %add3A_103 : i32
      %get3A_109 = arith.index_cast %add3A_108 : i32 to index
      %get3A_110 = tpu.vector_load %arg5[%get3A_109] {strides = array<i32>} : memref<1536xf32, #tpu.memory_space<vmem>>, vector<16xf32>,
      %get3A_111 = vector.shape_cast %get3A_110 : vector<16xf32> to vector<16xf32>
      %add3A_112 = arith.constant 1024 : i32
      %add3A_113 = arith.addi %add3A_112, %add3A_103 : i32
      %get3A_114 = arith.index_cast %add3A_113 : i32 to index
      %get3A_115 = tpu.vector_load %arg5[%get3A_114] {strides = array<i32>} : memref<1536xf32, #tpu.memory_space<vmem>>, vector<16xf32>,
      %get3A_116 = vector.shape_cast %get3A_115 : vector<16xf32> to vector<16xf32>
      %mul3A_117 = arith.constant 128 : i32
      %mul3A_118 = arith.muli %select_n3A_9, %mul3A_117 : i32
      %add3A_119 = arith.constant 32 : i32
      %add3A_120 = arith.addi %mul3A_118, %add3A_119 : i32
      %get3A_121 = arith.index_cast %add3A_120 : i32 to index
      %get3A_122 = tpu.vector_load %arg5[%get3A_121] {strides = array<i32>} : memref<1536xf32, #tpu.memory_space<vmem>>, vector<16xf32>,
      %get3A_123 = vector.shape_cast %get3A_122 : vector<16xf32> to vector<16xf32>
      %add3A_124 = arith.constant 512 : i32
      %add3A_125 = arith.addi %add3A_124, %add3A_120 : i32
      %get3A_126 = arith.index_cast %add3A_125 : i32 to index
      %get3A_127 = tpu.vector_load %arg5[%get3A_126] {strides = array<i32>} : memref<1536xf32, #tpu.memory_space<vmem>>, vector<16xf32>,
      %get3A_128 = vector.shape_cast %get3A_127 : vector<16xf32> to vector<16xf32>
      %add3A_129 = arith.constant 1024 : i32
      %add3A_130 = arith.addi %add3A_129, %add3A_120 : i32
      %get3A_131 = arith.index_cast %add3A_130 : i32 to index
      %get3A_132 = tpu.vector_load %arg5[%get3A_131] {strides = array<i32>} : memref<1536xf32, #tpu.memory_space<vmem>>, vector<16xf32>,
      %get3A_133 = vector.shape_cast %get3A_132 : vector<16xf32> to vector<16xf32>
      %mul3A_134 = arith.constant 128 : i32
      %mul3A_135 = arith.muli %select_n3A_9, %mul3A_134 : i32
      %add3A_136 = arith.constant 48 : i32
      %add3A_137 = arith.addi %mul3A_135, %add3A_136 : i32
      %get3A_138 = arith.index_cast %add3A_137 : i32 to index
      %get3A_139 = tpu.vector_load %arg5[%get3A_138] {strides = array<i32>} : memref<1536xf32, #tpu.memory_space<vmem>>, vector<16xf32>,
      %get3A_140 = vector.shape_cast %get3A_139 : vector<16xf32> to vector<16xf32>
      %add3A_141 = arith.constant 512 : i32
      %add3A_142 = arith.addi %add3A_141, %add3A_137 : i32
      %get3A_143 = arith.index_cast %add3A_142 : i32 to index
      %get3A_144 = tpu.vector_load %arg5[%get3A_143] {strides = array<i32>} : memref<1536xf32, #tpu.memory_space<vmem>>, vector<16xf32>,
      %get3A_145 = vector.shape_cast %get3A_144 : vector<16xf32> to vector<16xf32>
      %add3A_146 = arith.constant 1024 : i32
      %add3A_147 = arith.addi %add3A_146, %add3A_137 : i32
      %get3A_148 = arith.index_cast %add3A_147 : i32 to index
      %get3A_149 = tpu.vector_load %arg5[%get3A_148] {strides = array<i32>} : memref<1536xf32, #tpu.memory_space<vmem>>, vector<16xf32>,
      %get3A_150 = vector.shape_cast %get3A_149 : vector<16xf32> to vector<16xf32>
      %mul3A_151 = arith.constant 128 : i32
      %mul3A_152 = arith.muli %select_n3A_9, %mul3A_151 : i32
      %add3A_153 = arith.constant 64 : i32
      %add3A_154 = arith.addi %mul3A_152, %add3A_153 : i32
      %get3A_155 = arith.index_cast %add3A_154 : i32 to index
      %get3A_156 = tpu.vector_load %arg5[%get3A_155] {strides = array<i32>} : memref<1536xf32, #tpu.memory_space<vmem>>, vector<16xf32>,
      %get3A_157 = vector.shape_cast %get3A_156 : vector<16xf32> to vector<16xf32>
      %add3A_158 = arith.constant 512 : i32
      %add3A_159 = arith.addi %add3A_158, %add3A_154 : i32
      %get3A_160 = arith.index_cast %add3A_159 : i32 to index
      %get3A_161 = tpu.vector_load %arg5[%get3A_160] {strides = array<i32>} : memref<1536xf32, #tpu.memory_space<vmem>>, vector<16xf32>,
      %get3A_162 = vector.shape_cast %get3A_161 : vector<16xf32> to vector<16xf32>
      %add3A_163 = arith.constant 1024 : i32
      %add3A_164 = arith.addi %add3A_163, %add3A_154 : i32
      %get3A_165 = arith.index_cast %add3A_164 : i32 to index
      %get3A_166 = tpu.vector_load %arg5[%get3A_165] {strides = array<i32>} : memref<1536xf32, #tpu.memory_space<vmem>>, vector<16xf32>,
      %get3A_167 = vector.shape_cast %get3A_166 : vector<16xf32> to vector<16xf32>
      %mul3A_168 = arith.constant 128 : i32
      %mul3A_169 = arith.muli %select_n3A_9, %mul3A_168 : i32
      %add3A_170 = arith.constant 80 : i32
      %add3A_171 = arith.addi %mul3A_169, %add3A_170 : i32
      %get3A_172 = arith.index_cast %add3A_171 : i32 to index
      %get3A_173 = tpu.vector_load %arg5[%get3A_172] {strides = array<i32>} : memref<1536xf32, #tpu.memory_space<vmem>>, vector<16xf32>,
      %get3A_174 = vector.shape_cast %get3A_173 : vector<16xf32> to vector<16xf32>
      %add3A_175 = arith.constant 512 : i32
      %add3A_176 = arith.addi %add3A_175, %add3A_171 : i32
      %get3A_177 = arith.index_cast %add3A_176 : i32 to index
      %get3A_178 = tpu.vector_load %arg5[%get3A_177] {strides = array<i32>} : memref<1536xf32, #tpu.memory_space<vmem>>, vector<16xf32>,
      %get3A_179 = vector.shape_cast %get3A_178 : vector<16xf32> to vector<16xf32>
      %add3A_180 = arith.constant 1024 : i32
      %add3A_181 = arith.addi %add3A_180, %add3A_171 : i32
      %get3A_182 = arith.index_cast %add3A_181 : i32 to index
      %get3A_183 = tpu.vector_load %arg5[%get3A_182] {strides = array<i32>} : memref<1536xf32, #tpu.memory_space<vmem>>, vector<16xf32>,
      %get3A_184 = vector.shape_cast %get3A_183 : vector<16xf32> to vector<16xf32>
      %mul3A_185 = arith.constant 128 : i32
      %mul3A_186 = arith.muli %select_n3A_9, %mul3A_185 : i32
      %add3A_187 = arith.constant 96 : i32
      %add3A_188 = arith.addi %mul3A_186, %add3A_187 : i32
      %get3A_189 = arith.index_cast %add3A_188 : i32 to index
      %get3A_190 = tpu.vector_load %arg5[%get3A_189] {strides = array<i32>} : memref<1536xf32, #tpu.memory_space<vmem>>, vector<16xf32>,
      %get3A_191 = vector.shape_cast %get3A_190 : vector<16xf32> to vector<16xf32>
      %add3A_192 = arith.constant 512 : i32
      %add3A_193 = arith.addi %add3A_192, %add3A_188 : i32
      %get3A_194 = arith.index_cast %add3A_193 : i32 to index
      %get3A_195 = tpu.vector_load %arg5[%get3A_194] {strides = array<i32>} : memref<1536xf32, #tpu.memory_space<vmem>>, vector<16xf32>,
      %get3A_196 = vector.shape_cast %get3A_195 : vector<16xf32> to vector<16xf32>
      %add3A_197 = arith.constant 1024 : i32
      %add3A_198 = arith.addi %add3A_197, %add3A_188 : i32
      %get3A_199 = arith.index_cast %add3A_198 : i32 to index
      %get3A_200 = tpu.vector_load %arg5[%get3A_199] {strides = array<i32>} : memref<1536xf32, #tpu.memory_space<vmem>>, vector<16xf32>,
      %get3A_201 = vector.shape_cast %get3A_200 : vector<16xf32> to vector<16xf32>
      %mul3A_202 = arith.constant 128 : i32
      %mul3A_203 = arith.muli %select_n3A_9, %mul3A_202 : i32
      %add3A_204 = arith.constant 112 : i32
      %add3A_205 = arith.addi %mul3A_203, %add3A_204 : i32
      %get3A_206 = arith.index_cast %add3A_205 : i32 to index
      %get3A_207 = tpu.vector_load %arg5[%get3A_206] {strides = array<i32>} : memref<1536xf32, #tpu.memory_space<vmem>>, vector<16xf32>,
      %get3A_208 = vector.shape_cast %get3A_207 : vector<16xf32> to vector<16xf32>
      %add3A_209 = arith.constant 512 : i32
      %add3A_210 = arith.addi %add3A_209, %add3A_205 : i32
      %get3A_211 = arith.index_cast %add3A_210 : i32 to index
      %get3A_212 = tpu.vector_load %arg5[%get3A_211] {strides = array<i32>} : memref<1536xf32, #tpu.memory_space<vmem>>, vector<16xf32>,
      %get3A_213 = vector.shape_cast %get3A_212 : vector<16xf32> to vector<16xf32>
      %add3A_214 = arith.constant 1024 : i32
      %add3A_215 = arith.addi %add3A_214, %add3A_205 : i32
      %get3A_216 = arith.index_cast %add3A_215 : i32 to index
      %get3A_217 = tpu.vector_load %arg5[%get3A_216] {strides = array<i32>} : memref<1536xf32, #tpu.memory_space<vmem>>, vector<16xf32>,
      %get3A_218 = vector.shape_cast %get3A_217 : vector<16xf32> to vector<16xf32>
      %parallel_loop3A = arith.constant 0 : i32
      %parallel_loop3A_219 = arith.constant 128 : i32
      %parallel_loop3A_220 = arith.constant 1 : i32
      scf.for %parallel_loop3A_420 = %parallel_loop3A to %parallel_loop3A_219 step %parallel_loop3A_220  : i32 {
        %parallel_loop3A_421 = arith.constant 16 : i32
        %parallel_loop3A_422 = arith.muli %parallel_loop3A_420, %parallel_loop3A_421 : i32
        %parallel_loop3A_423 = arith.constant 0 : i32
        %parallel_loop3A_424 = arith.constant 0 : i32
        %parallel_loop3A_425 = tpu.memref_slice %arg6[%parallel_loop3A_423, %parallel_loop3A_424] : memref<2x2048xi32, #tpu.memory_space<vmem>> -> memref<1x2048xi32, #tpu.memory_space<vmem>>
        %parallel_loop3A_426 = tpu.memref_squeeze %parallel_loop3A_425 : memref<1x2048xi32, #tpu.memory_space<vmem>> -> memref<2048xi32, #tpu.memory_space<vmem>>
        %parallel_loop3A_427 = arith.index_cast %parallel_loop3A_422 : i32 to index
        %parallel_loop3A_428 = tpu.vector_load %parallel_loop3A_426[%parallel_loop3A_427] {strides = array<i32>} : memref<2048xi32, #tpu.memory_space<vmem>>, vector<16xi32>,
        %parallel_loop3A_429 = vector.shape_cast %parallel_loop3A_428 : vector<16xi32> to vector<16xi32>
        %parallel_loop3A_430 = arith.constant 0 : i32
        %parallel_loop3A_431 = vector.broadcast %parallel_loop3A_430 : i32 to vector<16xi32>
        %parallel_loop3A_432 = arith.cmpi eq, %parallel_loop3A_429, %parallel_loop3A_431 : vector<16xi32>
        %parallel_loop3A_433 = arith.constant 1 : i32
        %parallel_loop3A_434 = vector.broadcast %parallel_loop3A_433 : i32 to vector<16xi32>
        %parallel_loop3A_435 = arith.cmpi eq, %parallel_loop3A_429, %parallel_loop3A_434 : vector<16xi32>
        %parallel_loop3A_436 = arith.constant 8 : i32
        %parallel_loop3A_437 = arith.divsi %parallel_loop3A_420, %parallel_loop3A_436 : i32
        %parallel_loop3A_438 = arith.constant 0 : i32
        %parallel_loop3A_439 = arith.cmpi sgt, %parallel_loop3A_420, %parallel_loop3A_438 : i32
        %parallel_loop3A_440 = arith.extui %parallel_loop3A_439 : i1 to i32
        %parallel_loop3A_441 = arith.constant 0 : i32
        %parallel_loop3A_442 = arith.cmpi slt, %parallel_loop3A_420, %parallel_loop3A_441 : i32
        %parallel_loop3A_443 = arith.extui %parallel_loop3A_442 : i1 to i32
        %parallel_loop3A_444 = arith.subi %parallel_loop3A_440, %parallel_loop3A_443 : i32
        %parallel_loop3A_445 = arith.constant 0 : i32
        %parallel_loop3A_446 = arith.cmpi sgt, %parallel_loop3A_436, %parallel_loop3A_445 : i32
        %parallel_loop3A_447 = arith.extui %parallel_loop3A_446 : i1 to i32
        %parallel_loop3A_448 = arith.constant 0 : i32
        %parallel_loop3A_449 = arith.cmpi slt, %parallel_loop3A_436, %parallel_loop3A_448 : i32
        %parallel_loop3A_450 = arith.extui %parallel_loop3A_449 : i1 to i32
        %parallel_loop3A_451 = arith.subi %parallel_loop3A_447, %parallel_loop3A_450 : i32
        %parallel_loop3A_452 = arith.cmpi ne, %parallel_loop3A_444, %parallel_loop3A_451 : i32
        %parallel_loop3A_453 = arith.remsi %parallel_loop3A_420, %parallel_loop3A_436 : i32
        %parallel_loop3A_454 = arith.constant 0 : i32
        %parallel_loop3A_455 = arith.cmpi ne, %parallel_loop3A_453, %parallel_loop3A_454 : i32
        %parallel_loop3A_456 = arith.andi %parallel_loop3A_452, %parallel_loop3A_455 : i1
        %parallel_loop3A_457 = arith.constant 1 : i32
        %parallel_loop3A_458 = arith.subi %parallel_loop3A_437, %parallel_loop3A_457 : i32
        %parallel_loop3A_459 = arith.select %parallel_loop3A_456, %parallel_loop3A_458, %parallel_loop3A_437 : i32
        %parallel_loop3A_460 = arith.constant 1024 : i32
        %parallel_loop3A_461 = arith.muli %parallel_loop3A_459, %parallel_loop3A_460 : i32
        %parallel_loop3A_462 = arith.constant 8 : i32
        %parallel_loop3A_463 = arith.constant 0 : i32
        %parallel_loop3A_464 = arith.cmpi eq, %parallel_loop3A_462, %parallel_loop3A_463 : i32
        %parallel_loop3A_465 = arith.constant 1 : i32
        %parallel_loop3A_466 = arith.select %parallel_loop3A_464, %parallel_loop3A_465, %parallel_loop3A_462 : i32
        %parallel_loop3A_467 = arith.remsi %parallel_loop3A_420, %parallel_loop3A_466 : i32
        %parallel_loop3A_468 = arith.constant 0 : i32
        %parallel_loop3A_469 = arith.cmpi ne, %parallel_loop3A_467, %parallel_loop3A_468 : i32
        %parallel_loop3A_470 = arith.constant 0 : i32
        %parallel_loop3A_471 = arith.cmpi slt, %parallel_loop3A_467, %parallel_loop3A_470 : i32
        %parallel_loop3A_472 = arith.constant 0 : i32
        %parallel_loop3A_473 = arith.cmpi slt, %parallel_loop3A_466, %parallel_loop3A_472 : i32
        %parallel_loop3A_474 = arith.xori %parallel_loop3A_471, %parallel_loop3A_473 : i1
        %parallel_loop3A_475 = arith.andi %parallel_loop3A_474, %parallel_loop3A_469 : i1
        %parallel_loop3A_476 = arith.addi %parallel_loop3A_467, %parallel_loop3A_466 : i32
        %parallel_loop3A_477 = arith.select %parallel_loop3A_475, %parallel_loop3A_476, %parallel_loop3A_467 : i32
        %parallel_loop3A_478 = arith.constant 16 : i32
        %parallel_loop3A_479 = arith.muli %parallel_loop3A_477, %parallel_loop3A_478 : i32
        %parallel_loop3A_480 = arith.addi %parallel_loop3A_461, %parallel_loop3A_479 : i32
        %parallel_loop3A_481 = arith.select %parallel_loop3A_435, %get3A_94, %get3A_99 : vector<16xi1>, vector<16xf32>
        %parallel_loop3A_482 = arith.select %parallel_loop3A_432, %get3A_89, %parallel_loop3A_481 : vector<16xi1>, vector<16xf32>
        %parallel_loop3A_483 = arith.constant 0 : i32
        %parallel_loop3A_484 = arith.addi %parallel_loop3A_480, %parallel_loop3A_483 : i32
        %parallel_loop3A_485 = arith.constant 0 : i32
        %parallel_loop3A_486 = arith.constant 0 : i32
        %parallel_loop3A_487 = tpu.memref_slice %arg7[%parallel_loop3A_485, %parallel_loop3A_486] : memref<2x16384xf32, #tpu.memory_space<vmem>> -> memref<1x16384xf32, #tpu.memory_space<vmem>>
        %parallel_loop3A_488 = tpu.memref_squeeze %parallel_loop3A_487 : memref<1x16384xf32, #tpu.memory_space<vmem>> -> memref<16384xf32, #tpu.memory_space<vmem>>
        %parallel_loop3A_489 = arith.index_cast %parallel_loop3A_484 : i32 to index
        %parallel_loop3A_490 = tpu.vector_load %parallel_loop3A_488[%parallel_loop3A_489] {strides = array<i32>} : memref<16384xf32, #tpu.memory_space<vmem>>, vector<16xf32>,
        %parallel_loop3A_491 = vector.shape_cast %parallel_loop3A_490 : vector<16xf32> to vector<16xf32>
        %parallel_loop3A_492 = vector.shape_cast %parallel_loop3A_482 : vector<16xf32> to vector<16xf32>
        tpu.vector_store %parallel_loop3A_488[%parallel_loop3A_489], %parallel_loop3A_492 {strides = array<i32>} : memref<16384xf32, #tpu.memory_space<vmem>>, vector<16xf32>,
        %parallel_loop3A_493 = arith.select %parallel_loop3A_435, %get3A_111, %get3A_116 : vector<16xi1>, vector<16xf32>
        %parallel_loop3A_494 = arith.select %parallel_loop3A_432, %get3A_106, %parallel_loop3A_493 : vector<16xi1>, vector<16xf32>
        %parallel_loop3A_495 = arith.constant 128 : i32
        %parallel_loop3A_496 = arith.addi %parallel_loop3A_480, %parallel_loop3A_495 : i32
        %parallel_loop3A_497 = arith.constant 0 : i32
        %parallel_loop3A_498 = arith.constant 0 : i32
        %parallel_loop3A_499 = tpu.memref_slice %arg7[%parallel_loop3A_497, %parallel_loop3A_498] : memref<2x16384xf32, #tpu.memory_space<vmem>> -> memref<1x16384xf32, #tpu.memory_space<vmem>>
        %parallel_loop3A_500 = tpu.memref_squeeze %parallel_loop3A_499 : memref<1x16384xf32, #tpu.memory_space<vmem>> -> memref<16384xf32, #tpu.memory_space<vmem>>
        %parallel_loop3A_501 = arith.index_cast %parallel_loop3A_496 : i32 to index
        %parallel_loop3A_502 = tpu.vector_load %parallel_loop3A_500[%parallel_loop3A_501] {strides = array<i32>} : memref<16384xf32, #tpu.memory_space<vmem>>, vector<16xf32>,
        %parallel_loop3A_503 = vector.shape_cast %parallel_loop3A_502 : vector<16xf32> to vector<16xf32>
        %parallel_loop3A_504 = vector.shape_cast %parallel_loop3A_494 : vector<16xf32> to vector<16xf32>
        tpu.vector_store %parallel_loop3A_500[%parallel_loop3A_501], %parallel_loop3A_504 {strides = array<i32>} : memref<16384xf32, #tpu.memory_space<vmem>>, vector<16xf32>,
        %parallel_loop3A_505 = arith.select %parallel_loop3A_435, %get3A_128, %get3A_133 : vector<16xi1>, vector<16xf32>
        %parallel_loop3A_506 = arith.select %parallel_loop3A_432, %get3A_123, %parallel_loop3A_505 : vector<16xi1>, vector<16xf32>
        %parallel_loop3A_507 = arith.constant 256 : i32
        %parallel_loop3A_508 = arith.addi %parallel_loop3A_480, %parallel_loop3A_507 : i32
        %parallel_loop3A_509 = arith.constant 0 : i32
        %parallel_loop3A_510 = arith.constant 0 : i32
        %parallel_loop3A_511 = tpu.memref_slice %arg7[%parallel_loop3A_509, %parallel_loop3A_510] : memref<2x16384xf32, #tpu.memory_space<vmem>> -> memref<1x16384xf32, #tpu.memory_space<vmem>>
        %parallel_loop3A_512 = tpu.memref_squeeze %parallel_loop3A_511 : memref<1x16384xf32, #tpu.memory_space<vmem>> -> memref<16384xf32, #tpu.memory_space<vmem>>
        %parallel_loop3A_513 = arith.index_cast %parallel_loop3A_508 : i32 to index
        %parallel_loop3A_514 = tpu.vector_load %parallel_loop3A_512[%parallel_loop3A_513] {strides = array<i32>} : memref<16384xf32, #tpu.memory_space<vmem>>, vector<16xf32>,
        %parallel_loop3A_515 = vector.shape_cast %parallel_loop3A_514 : vector<16xf32> to vector<16xf32>
        %parallel_loop3A_516 = vector.shape_cast %parallel_loop3A_506 : vector<16xf32> to vector<16xf32>
        tpu.vector_store %parallel_loop3A_512[%parallel_loop3A_513], %parallel_loop3A_516 {strides = array<i32>} : memref<16384xf32, #tpu.memory_space<vmem>>, vector<16xf32>,
        %parallel_loop3A_517 = arith.select %parallel_loop3A_435, %get3A_145, %get3A_150 : vector<16xi1>, vector<16xf32>
        %parallel_loop3A_518 = arith.select %parallel_loop3A_432, %get3A_140, %parallel_loop3A_517 : vector<16xi1>, vector<16xf32>
        %parallel_loop3A_519 = arith.constant 384 : i32
        %parallel_loop3A_520 = arith.addi %parallel_loop3A_480, %parallel_loop3A_519 : i32
        %parallel_loop3A_521 = arith.constant 0 : i32
        %parallel_loop3A_522 = arith.constant 0 : i32
        %parallel_loop3A_523 = tpu.memref_slice %arg7[%parallel_loop3A_521, %parallel_loop3A_522] : memref<2x16384xf32, #tpu.memory_space<vmem>> -> memref<1x16384xf32, #tpu.memory_space<vmem>>
        %parallel_loop3A_524 = tpu.memref_squeeze %parallel_loop3A_523 : memref<1x16384xf32, #tpu.memory_space<vmem>> -> memref<16384xf32, #tpu.memory_space<vmem>>
        %parallel_loop3A_525 = arith.index_cast %parallel_loop3A_520 : i32 to index
        %parallel_loop3A_526 = tpu.vector_load %parallel_loop3A_524[%parallel_loop3A_525] {strides = array<i32>} : memref<16384xf32, #tpu.memory_space<vmem>>, vector<16xf32>,
        %parallel_loop3A_527 = vector.shape_cast %parallel_loop3A_526 : vector<16xf32> to vector<16xf32>
        %parallel_loop3A_528 = vector.shape_cast %parallel_loop3A_518 : vector<16xf32> to vector<16xf32>
        tpu.vector_store %parallel_loop3A_524[%parallel_loop3A_525], %parallel_loop3A_528 {strides = array<i32>} : memref<16384xf32, #tpu.memory_space<vmem>>, vector<16xf32>,
        %parallel_loop3A_529 = arith.select %parallel_loop3A_435, %get3A_162, %get3A_167 : vector<16xi1>, vector<16xf32>
        %parallel_loop3A_530 = arith.select %parallel_loop3A_432, %get3A_157, %parallel_loop3A_529 : vector<16xi1>, vector<16xf32>
        %parallel_loop3A_531 = arith.constant 512 : i32
        %parallel_loop3A_532 = arith.addi %parallel_loop3A_480, %parallel_loop3A_531 : i32
        %parallel_loop3A_533 = arith.constant 0 : i32
        %parallel_loop3A_534 = arith.constant 0 : i32
        %parallel_loop3A_535 = tpu.memref_slice %arg7[%parallel_loop3A_533, %parallel_loop3A_534] : memref<2x16384xf32, #tpu.memory_space<vmem>> -> memref<1x16384xf32, #tpu.memory_space<vmem>>
        %parallel_loop3A_536 = tpu.memref_squeeze %parallel_loop3A_535 : memref<1x16384xf32, #tpu.memory_space<vmem>> -> memref<16384xf32, #tpu.memory_space<vmem>>
        %parallel_loop3A_537 = arith.index_cast %parallel_loop3A_532 : i32 to index
        %parallel_loop3A_538 = tpu.vector_load %parallel_loop3A_536[%parallel_loop3A_537] {strides = array<i32>} : memref<16384xf32, #tpu.memory_space<vmem>>, vector<16xf32>,
        %parallel_loop3A_539 = vector.shape_cast %parallel_loop3A_538 : vector<16xf32> to vector<16xf32>
        %parallel_loop3A_540 = vector.shape_cast %parallel_loop3A_530 : vector<16xf32> to vector<16xf32>
        tpu.vector_store %parallel_loop3A_536[%parallel_loop3A_537], %parallel_loop3A_540 {strides = array<i32>} : memref<16384xf32, #tpu.memory_space<vmem>>, vector<16xf32>,
        %parallel_loop3A_541 = arith.select %parallel_loop3A_435, %get3A_179, %get3A_184 : vector<16xi1>, vector<16xf32>
        %parallel_loop3A_542 = arith.select %parallel_loop3A_432, %get3A_174, %parallel_loop3A_541 : vector<16xi1>, vector<16xf32>
        %parallel_loop3A_543 = arith.constant 640 : i32
        %parallel_loop3A_544 = arith.addi %parallel_loop3A_480, %parallel_loop3A_543 : i32
        %parallel_loop3A_545 = arith.constant 0 : i32
        %parallel_loop3A_546 = arith.constant 0 : i32
        %parallel_loop3A_547 = tpu.memref_slice %arg7[%parallel_loop3A_545, %parallel_loop3A_546] : memref<2x16384xf32, #tpu.memory_space<vmem>> -> memref<1x16384xf32, #tpu.memory_space<vmem>>
        %parallel_loop3A_548 = tpu.memref_squeeze %parallel_loop3A_547 : memref<1x16384xf32, #tpu.memory_space<vmem>> -> memref<16384xf32, #tpu.memory_space<vmem>>
        %parallel_loop3A_549 = arith.index_cast %parallel_loop3A_544 : i32 to index
        %parallel_loop3A_550 = tpu.vector_load %parallel_loop3A_548[%parallel_loop3A_549] {strides = array<i32>} : memref<16384xf32, #tpu.memory_space<vmem>>, vector<16xf32>,
        %parallel_loop3A_551 = vector.shape_cast %parallel_loop3A_550 : vector<16xf32> to vector<16xf32>
        %parallel_loop3A_552 = vector.shape_cast %parallel_loop3A_542 : vector<16xf32> to vector<16xf32>
        tpu.vector_store %parallel_loop3A_548[%parallel_loop3A_549], %parallel_loop3A_552 {strides = array<i32>} : memref<16384xf32, #tpu.memory_space<vmem>>, vector<16xf32>,
        %parallel_loop3A_553 = arith.select %parallel_loop3A_435, %get3A_196, %get3A_201 : vector<16xi1>, vector<16xf32>
        %parallel_loop3A_554 = arith.select %parallel_loop3A_432, %get3A_191, %parallel_loop3A_553 : vector<16xi1>, vector<16xf32>
        %parallel_loop3A_555 = arith.constant 768 : i32
        %parallel_loop3A_556 = arith.addi %parallel_loop3A_480, %parallel_loop3A_555 : i32
        %parallel_loop3A_557 = arith.constant 0 : i32
        %parallel_loop3A_558 = arith.constant 0 : i32
        %parallel_loop3A_559 = tpu.memref_slice %arg7[%parallel_loop3A_557, %parallel_loop3A_558] : memref<2x16384xf32, #tpu.memory_space<vmem>> -> memref<1x16384xf32, #tpu.memory_space<vmem>>
        %parallel_loop3A_560 = tpu.memref_squeeze %parallel_loop3A_559 : memref<1x16384xf32, #tpu.memory_space<vmem>> -> memref<16384xf32, #tpu.memory_space<vmem>>
        %parallel_loop3A_561 = arith.index_cast %parallel_loop3A_556 : i32 to index
        %parallel_loop3A_562 = tpu.vector_load %parallel_loop3A_560[%parallel_loop3A_561] {strides = array<i32>} : memref<16384xf32, #tpu.memory_space<vmem>>, vector<16xf32>,
        %parallel_loop3A_563 = vector.shape_cast %parallel_loop3A_562 : vector<16xf32> to vector<16xf32>
        %parallel_loop3A_564 = vector.shape_cast %parallel_loop3A_554 : vector<16xf32> to vector<16xf32>
        tpu.vector_store %parallel_loop3A_560[%parallel_loop3A_561], %parallel_loop3A_564 {strides = array<i32>} : memref<16384xf32, #tpu.memory_space<vmem>>, vector<16xf32>,
        %parallel_loop3A_565 = arith.select %parallel_loop3A_435, %get3A_213, %get3A_218 : vector<16xi1>, vector<16xf32>
        %parallel_loop3A_566 = arith.select %parallel_loop3A_432, %get3A_208, %parallel_loop3A_565 : vector<16xi1>, vector<16xf32>
        %parallel_loop3A_567 = arith.constant 896 : i32
        %parallel_loop3A_568 = arith.addi %parallel_loop3A_480, %parallel_loop3A_567 : i32
        %parallel_loop3A_569 = arith.constant 0 : i32
        %parallel_loop3A_570 = arith.constant 0 : i32
        %parallel_loop3A_571 = tpu.memref_slice %arg7[%parallel_loop3A_569, %parallel_loop3A_570] : memref<2x16384xf32, #tpu.memory_space<vmem>> -> memref<1x16384xf32, #tpu.memory_space<vmem>>
        %parallel_loop3A_572 = tpu.memref_squeeze %parallel_loop3A_571 : memref<1x16384xf32, #tpu.memory_space<vmem>> -> memref<16384xf32, #tpu.memory_space<vmem>>
        %parallel_loop3A_573 = arith.index_cast %parallel_loop3A_568 : i32 to index
        %parallel_loop3A_574 = tpu.vector_load %parallel_loop3A_572[%parallel_loop3A_573] {strides = array<i32>} : memref<16384xf32, #tpu.memory_space<vmem>>, vector<16xf32>,
        %parallel_loop3A_575 = vector.shape_cast %parallel_loop3A_574 : vector<16xf32> to vector<16xf32>
        %parallel_loop3A_576 = vector.shape_cast %parallel_loop3A_566 : vector<16xf32> to vector<16xf32>
        tpu.vector_store %parallel_loop3A_572[%parallel_loop3A_573], %parallel_loop3A_576 {strides = array<i32>} : memref<16384xf32, #tpu.memory_space<vmem>>, vector<16xf32>,
      } {sc.loop_unroll_factor = 2 : i64, sc.parallel_access}
      %mul3A_221 = arith.constant 524288 : i32
      %mul3A_222 = arith.muli %add3A_70, %mul3A_221 : i32
      %mul3A_223 = arith.constant 131072 : i32
      %mul3A_224 = arith.muli %select_n3A_9, %mul3A_223 : i32
      %add3A_225 = arith.addi %mul3A_222, %mul3A_224 : i32
      %mul3A_226 = arith.constant 16384 : i32
      %mul3A_227 = arith.muli %select_n3A_30, %mul3A_226 : i32
      %add3A_228 = arith.addi %add3A_225, %mul3A_227 : i32
      %dma_start3A = arith.constant 0 : i32
      %dma_start3A_229 = arith.constant 0 : i32
      %dma_start3A_230 = arith.constant 0 : i32
      %dma_start3A_231 = tpu.memref_slice %arg7[%dma_start3A, %dma_start3A_230] : memref<2x16384xf32, #tpu.memory_space<vmem>> -> memref<1x16384xf32, #tpu.memory_space<vmem>>
      %dma_start3A_232 = tpu.memref_squeeze %dma_start3A_231 : memref<1x16384xf32, #tpu.memory_space<vmem>> -> memref<16384xf32, #tpu.memory_space<vmem>>
      %dma_start3A_233 = tpu.memref_slice %arg4[%add3A_228] : memref<104857600xf32, #tpu.memory_space<hbm>> -> memref<16384xf32, #tpu.memory_space<hbm>>
      %dma_start3A_234 = tpu.memref_slice %arg9[%dma_start3A_229] : memref<2x!tpu.dma_semaphore, #tpu.memory_space<semaphore_mem>> -> memref<1x!tpu.dma_semaphore, #tpu.memory_space<semaphore_mem>>
      %dma_start3A_235 = tpu.memref_squeeze %dma_start3A_234 : memref<1x!tpu.dma_semaphore, #tpu.memory_space<semaphore_mem>> -> memref<!tpu.dma_semaphore, #tpu.memory_space<semaphore_mem>>
      %dma_start3A_236 = tpu.memref_slice %arg4[%add3A_228] : memref<104857600xf32, #tpu.memory_space<hbm>> -> memref<16384xf32, #tpu.memory_space<hbm>>
      %dma_start3A_237 = arith.constant 0 : i32
      %dma_start3A_238 = tpu.memref_slice %arg7[%dma_start3A, %dma_start3A_237] : memref<2x16384xf32, #tpu.memory_space<vmem>> -> memref<1x16384xf32, #tpu.memory_space<vmem>>
      %dma_start3A_239 = tpu.memref_squeeze %dma_start3A_238 : memref<1x16384xf32, #tpu.memory_space<vmem>> -> memref<16384xf32, #tpu.memory_space<vmem>>
      tpu.enqueue_dma source(%dma_start3A_239 : memref<16384xf32, #tpu.memory_space<vmem>>) target(%dma_start3A_236 : memref<16384xf32, #tpu.memory_space<hbm>>) target_semaphore(%dma_start3A_235 : memref<!tpu.dma_semaphore, #tpu.memory_space<semaphore_mem>>)
      %mul3A_240 = arith.constant 2 : i32
      %mul3A_241 = arith.muli %scan3A_66, %mul3A_240 : i32
      %add3A_242 = arith.constant 1 : i32
      %add3A_243 = arith.addi %mul3A_241, %add3A_242 : i32
      %add3A_244 = arith.constant 1 : i32
      %add3A_245 = arith.addi %add3A_243, %add3A_244 : i32
      %lt3A_246 = arith.constant 200 : i32
      %lt3A_247 = arith.cmpi slt, %add3A_245, %lt3A_246 : i32
      %convert_element_type3A_248 = arith.extui %lt3A_247 : i1 to i32
      %cond3A_249 = arith.constant 0 : i32
      %cond3A_250 = arith.cmpi ne, %convert_element_type3A_248, %cond3A_249 : i32
      scf.if %cond3A_250 {
        %add3A_420 = arith.constant 1 : i32
        %add3A_421 = arith.addi %add3A_243, %add3A_420 : i32
        %dma_start3A_422 = arith.constant 0 : i32
        %dma_start3A_423 = arith.constant 0 : i32
        %dma_start3A_424 = arith.constant 0 : i32
        %dma_start3A_425 = tpu.memref_slice %arg6[%dma_start3A_422, %dma_start3A_424] : memref<2x2048xi32, #tpu.memory_space<vmem>> -> memref<1x2048xi32, #tpu.memory_space<vmem>>
        %dma_start3A_426 = tpu.memref_squeeze %dma_start3A_425 : memref<1x2048xi32, #tpu.memory_space<vmem>> -> memref<2048xi32, #tpu.memory_space<vmem>>
        %dma_start3A_427 = tpu.memref_slice %arg3[%add3A_421, %mul3A_32] : memref<200x16384xi32, #tpu.memory_space<hbm>> -> memref<1x2048xi32, #tpu.memory_space<hbm>>
        %dma_start3A_428 = tpu.memref_squeeze %dma_start3A_427 : memref<1x2048xi32, #tpu.memory_space<hbm>> -> memref<2048xi32, #tpu.memory_space<hbm>>
        %dma_start3A_429 = tpu.memref_slice %arg8[%dma_start3A_423] : memref<2x!tpu.dma_semaphore, #tpu.memory_space<semaphore_mem>> -> memref<1x!tpu.dma_semaphore, #tpu.memory_space<semaphore_mem>>
        %dma_start3A_430 = tpu.memref_squeeze %dma_start3A_429 : memref<1x!tpu.dma_semaphore, #tpu.memory_space<semaphore_mem>> -> memref<!tpu.dma_semaphore, #tpu.memory_space<semaphore_mem>>
        %dma_start3A_431 = arith.constant 0 : i32
        %dma_start3A_432 = tpu.memref_slice %arg6[%dma_start3A_422, %dma_start3A_431] : memref<2x2048xi32, #tpu.memory_space<vmem>> -> memref<1x2048xi32, #tpu.memory_space<vmem>>
        %dma_start3A_433 = tpu.memref_squeeze %dma_start3A_432 : memref<1x2048xi32, #tpu.memory_space<vmem>> -> memref<2048xi32, #tpu.memory_space<vmem>>
        %dma_start3A_434 = tpu.memref_slice %arg3[%add3A_421, %mul3A_32] : memref<200x16384xi32, #tpu.memory_space<hbm>> -> memref<1x2048xi32, #tpu.memory_space<hbm>>
        %dma_start3A_435 = tpu.memref_squeeze %dma_start3A_434 : memref<1x2048xi32, #tpu.memory_space<hbm>> -> memref<2048xi32, #tpu.memory_space<hbm>>
        tpu.enqueue_dma source(%dma_start3A_435 : memref<2048xi32, #tpu.memory_space<hbm>>) target(%dma_start3A_433 : memref<2048xi32, #tpu.memory_space<vmem>>) target_semaphore(%dma_start3A_430 : memref<!tpu.dma_semaphore, #tpu.memory_space<semaphore_mem>>)
      } else {
      }
      %ge3A_251 = arith.constant 2 : i32
      %ge3A_252 = arith.cmpi sge, %add3A_243, %ge3A_251 : i32
      %convert_element_type3A_253 = arith.extui %ge3A_252 : i1 to i32
      %cond3A_254 = arith.constant 0 : i32
      %cond3A_255 = arith.cmpi ne, %convert_element_type3A_253, %cond3A_254 : i32
      scf.if %cond3A_255 {
        %dma_wait3A_420 = arith.constant 1 : i32
        %dma_wait3A_421 = arith.constant 1 : i32
        %dma_wait3A_422 = arith.constant 0 : i32
        %dma_wait3A_423 = tpu.memref_slice %arg7[%dma_wait3A_420, %dma_wait3A_422] : memref<2x16384xf32, #tpu.memory_space<vmem>> -> memref<1x16384xf32, #tpu.memory_space<vmem>>
        %dma_wait3A_424 = tpu.memref_squeeze %dma_wait3A_423 : memref<1x16384xf32, #tpu.memory_space<vmem>> -> memref<16384xf32, #tpu.memory_space<vmem>>
        %dma_wait3A_425 = arith.constant 0 : i32
        %dma_wait3A_426 = tpu.memref_slice %arg4[%dma_wait3A_425] : memref<104857600xf32, #tpu.memory_space<hbm>> -> memref<16384xf32, #tpu.memory_space<hbm>>
        %dma_wait3A_427 = tpu.memref_slice %arg9[%dma_wait3A_421] : memref<2x!tpu.dma_semaphore, #tpu.memory_space<semaphore_mem>> -> memref<1x!tpu.dma_semaphore, #tpu.memory_space<semaphore_mem>>
        %dma_wait3A_428 = tpu.memref_squeeze %dma_wait3A_427 : memref<1x!tpu.dma_semaphore, #tpu.memory_space<semaphore_mem>> -> memref<!tpu.dma_semaphore, #tpu.memory_space<semaphore_mem>>
        %dma_wait3A_429 = arith.constant 0 : i32
        %dma_wait3A_430 = tpu.memref_slice %arg4[%dma_wait3A_429] : memref<104857600xf32, #tpu.memory_space<hbm>> -> memref<16384xf32, #tpu.memory_space<hbm>>
        %dma_wait3A_431 = arith.constant 0 : i32
        %dma_wait3A_432 = tpu.memref_slice %arg7[%dma_wait3A_420, %dma_wait3A_431] : memref<2x16384xf32, #tpu.memory_space<vmem>> -> memref<1x16384xf32, #tpu.memory_space<vmem>>
        %dma_wait3A_433 = tpu.memref_squeeze %dma_wait3A_432 : memref<1x16384xf32, #tpu.memory_space<vmem>> -> memref<16384xf32, #tpu.memory_space<vmem>>
        tpu.wait_dma2 semaphore(%dma_wait3A_428 : memref<!tpu.dma_semaphore, #tpu.memory_space<semaphore_mem>>) src(%dma_wait3A_433 : memref<16384xf32, #tpu.memory_space<vmem>>) dst(%dma_wait3A_430 : memref<16384xf32, #tpu.memory_space<hbm>>)
      } else {
      }
      %gt3A_256 = arith.constant 0 : i32
      %gt3A_257 = arith.cmpi sgt, %add3A_243, %gt3A_256 : i32
      %convert_element_type3A_258 = arith.extui %gt3A_257 : i1 to i32
      %cond3A_259 = arith.constant 0 : i32
      %cond3A_260 = arith.cmpi ne, %convert_element_type3A_258, %cond3A_259 : i32
      scf.if %cond3A_260 {
        %dma_wait3A_420 = arith.constant 0 : i32
        %dma_wait3A_421 = arith.constant 1 : i32
        %dma_wait3A_422 = arith.constant 1 : i32
        %dma_wait3A_423 = arith.constant 0 : i32
        %dma_wait3A_424 = tpu.memref_slice %arg6[%dma_wait3A_421, %dma_wait3A_423] : memref<2x2048xi32, #tpu.memory_space<vmem>> -> memref<1x2048xi32, #tpu.memory_space<vmem>>
        %dma_wait3A_425 = tpu.memref_squeeze %dma_wait3A_424 : memref<1x2048xi32, #tpu.memory_space<vmem>> -> memref<2048xi32, #tpu.memory_space<vmem>>
        %dma_wait3A_426 = arith.constant 0 : i32
        %dma_wait3A_427 = tpu.memref_slice %arg3[%dma_wait3A_420, %dma_wait3A_426] : memref<200x16384xi32, #tpu.memory_space<hbm>> -> memref<1x2048xi32, #tpu.memory_space<hbm>>
        %dma_wait3A_428 = tpu.memref_squeeze %dma_wait3A_427 : memref<1x2048xi32, #tpu.memory_space<hbm>> -> memref<2048xi32, #tpu.memory_space<hbm>>
        %dma_wait3A_429 = tpu.memref_slice %arg8[%dma_wait3A_422] : memref<2x!tpu.dma_semaphore, #tpu.memory_space<semaphore_mem>> -> memref<1x!tpu.dma_semaphore, #tpu.memory_space<semaphore_mem>>
        %dma_wait3A_430 = tpu.memref_squeeze %dma_wait3A_429 : memref<1x!tpu.dma_semaphore, #tpu.memory_space<semaphore_mem>> -> memref<!tpu.dma_semaphore, #tpu.memory_space<semaphore_mem>>
        %dma_wait3A_431 = arith.constant 0 : i32
        %dma_wait3A_432 = tpu.memref_slice %arg6[%dma_wait3A_421, %dma_wait3A_431] : memref<2x2048xi32, #tpu.memory_space<vmem>> -> memref<1x2048xi32, #tpu.memory_space<vmem>>
        %dma_wait3A_433 = tpu.memref_squeeze %dma_wait3A_432 : memref<1x2048xi32, #tpu.memory_space<vmem>> -> memref<2048xi32, #tpu.memory_space<vmem>>
        %dma_wait3A_434 = arith.constant 0 : i32
        %dma_wait3A_435 = tpu.memref_slice %arg3[%dma_wait3A_420, %dma_wait3A_434] : memref<200x16384xi32, #tpu.memory_space<hbm>> -> memref<1x2048xi32, #tpu.memory_space<hbm>>
        %dma_wait3A_436 = tpu.memref_squeeze %dma_wait3A_435 : memref<1x2048xi32, #tpu.memory_space<hbm>> -> memref<2048xi32, #tpu.memory_space<hbm>>
        tpu.wait_dma2 semaphore(%dma_wait3A_430 : memref<!tpu.dma_semaphore, #tpu.memory_space<semaphore_mem>>) src(%dma_wait3A_436 : memref<2048xi32, #tpu.memory_space<hbm>>) dst(%dma_wait3A_433 : memref<2048xi32, #tpu.memory_space<vmem>>)
      } else {
      }
      %mul3A_261 = arith.constant 128 : i32
      %mul3A_262 = arith.muli %select_n3A_9, %mul3A_261 : i32
      %add3A_263 = arith.constant 0 : i32
      %add3A_264 = arith.addi %mul3A_262, %add3A_263 : i32
      %get3A_265 = arith.index_cast %add3A_264 : i32 to index
      %get3A_266 = tpu.vector_load %arg5[%get3A_265] {strides = array<i32>} : memref<1536xf32, #tpu.memory_space<vmem>>, vector<16xf32>,
      %get3A_267 = vector.shape_cast %get3A_266 : vector<16xf32> to vector<16xf32>
      %add3A_268 = arith.constant 512 : i32
      %add3A_269 = arith.addi %add3A_268, %add3A_264 : i32
      %get3A_270 = arith.index_cast %add3A_269 : i32 to index
      %get3A_271 = tpu.vector_load %arg5[%get3A_270] {strides = array<i32>} : memref<1536xf32, #tpu.memory_space<vmem>>, vector<16xf32>,
      %get3A_272 = vector.shape_cast %get3A_271 : vector<16xf32> to vector<16xf32>
      %add3A_273 = arith.constant 1024 : i32
      %add3A_274 = arith.addi %add3A_273, %add3A_264 : i32
      %get3A_275 = arith.index_cast %add3A_274 : i32 to index
      %get3A_276 = tpu.vector_load %arg5[%get3A_275] {strides = array<i32>} : memref<1536xf32, #tpu.memory_space<vmem>>, vector<16xf32>,
      %get3A_277 = vector.shape_cast %get3A_276 : vector<16xf32> to vector<16xf32>
      %mul3A_278 = arith.constant 128 : i32
      %mul3A_279 = arith.muli %select_n3A_9, %mul3A_278 : i32
      %add3A_280 = arith.constant 16 : i32
      %add3A_281 = arith.addi %mul3A_279, %add3A_280 : i32
      %get3A_282 = arith.index_cast %add3A_281 : i32 to index
      %get3A_283 = tpu.vector_load %arg5[%get3A_282] {strides = array<i32>} : memref<1536xf32, #tpu.memory_space<vmem>>, vector<16xf32>,
      %get3A_284 = vector.shape_cast %get3A_283 : vector<16xf32> to vector<16xf32>
      %add3A_285 = arith.constant 512 : i32
      %add3A_286 = arith.addi %add3A_285, %add3A_281 : i32
      %get3A_287 = arith.index_cast %add3A_286 : i32 to index
      %get3A_288 = tpu.vector_load %arg5[%get3A_287] {strides = array<i32>} : memref<1536xf32, #tpu.memory_space<vmem>>, vector<16xf32>,
      %get3A_289 = vector.shape_cast %get3A_288 : vector<16xf32> to vector<16xf32>
      %add3A_290 = arith.constant 1024 : i32
      %add3A_291 = arith.addi %add3A_290, %add3A_281 : i32
      %get3A_292 = arith.index_cast %add3A_291 : i32 to index
      %get3A_293 = tpu.vector_load %arg5[%get3A_292] {strides = array<i32>} : memref<1536xf32, #tpu.memory_space<vmem>>, vector<16xf32>,
      %get3A_294 = vector.shape_cast %get3A_293 : vector<16xf32> to vector<16xf32>
      %mul3A_295 = arith.constant 128 : i32
      %mul3A_296 = arith.muli %select_n3A_9, %mul3A_295 : i32
      %add3A_297 = arith.constant 32 : i32
      %add3A_298 = arith.addi %mul3A_296, %add3A_297 : i32
      %get3A_299 = arith.index_cast %add3A_298 : i32 to index
      %get3A_300 = tpu.vector_load %arg5[%get3A_299] {strides = array<i32>} : memref<1536xf32, #tpu.memory_space<vmem>>, vector<16xf32>,
      %get3A_301 = vector.shape_cast %get3A_300 : vector<16xf32> to vector<16xf32>
      %add3A_302 = arith.constant 512 : i32
      %add3A_303 = arith.addi %add3A_302, %add3A_298 : i32
      %get3A_304 = arith.index_cast %add3A_303 : i32 to index
      %get3A_305 = tpu.vector_load %arg5[%get3A_304] {strides = array<i32>} : memref<1536xf32, #tpu.memory_space<vmem>>, vector<16xf32>,
      %get3A_306 = vector.shape_cast %get3A_305 : vector<16xf32> to vector<16xf32>
      %add3A_307 = arith.constant 1024 : i32
      %add3A_308 = arith.addi %add3A_307, %add3A_298 : i32
      %get3A_309 = arith.index_cast %add3A_308 : i32 to index
      %get3A_310 = tpu.vector_load %arg5[%get3A_309] {strides = array<i32>} : memref<1536xf32, #tpu.memory_space<vmem>>, vector<16xf32>,
      %get3A_311 = vector.shape_cast %get3A_310 : vector<16xf32> to vector<16xf32>
      %mul3A_312 = arith.constant 128 : i32
      %mul3A_313 = arith.muli %select_n3A_9, %mul3A_312 : i32
      %add3A_314 = arith.constant 48 : i32
      %add3A_315 = arith.addi %mul3A_313, %add3A_314 : i32
      %get3A_316 = arith.index_cast %add3A_315 : i32 to index
      %get3A_317 = tpu.vector_load %arg5[%get3A_316] {strides = array<i32>} : memref<1536xf32, #tpu.memory_space<vmem>>, vector<16xf32>,
      %get3A_318 = vector.shape_cast %get3A_317 : vector<16xf32> to vector<16xf32>
      %add3A_319 = arith.constant 512 : i32
      %add3A_320 = arith.addi %add3A_319, %add3A_315 : i32
      %get3A_321 = arith.index_cast %add3A_320 : i32 to index
      %get3A_322 = tpu.vector_load %arg5[%get3A_321] {strides = array<i32>} : memref<1536xf32, #tpu.memory_space<vmem>>, vector<16xf32>,
      %get3A_323 = vector.shape_cast %get3A_322 : vector<16xf32> to vector<16xf32>
      %add3A_324 = arith.constant 1024 : i32
      %add3A_325 = arith.addi %add3A_324, %add3A_315 : i32
      %get3A_326 = arith.index_cast %add3A_325 : i32 to index
      %get3A_327 = tpu.vector_load %arg5[%get3A_326] {strides = array<i32>} : memref<1536xf32, #tpu.memory_space<vmem>>, vector<16xf32>,
      %get3A_328 = vector.shape_cast %get3A_327 : vector<16xf32> to vector<16xf32>
      %mul3A_329 = arith.constant 128 : i32
      %mul3A_330 = arith.muli %select_n3A_9, %mul3A_329 : i32
      %add3A_331 = arith.constant 64 : i32
      %add3A_332 = arith.addi %mul3A_330, %add3A_331 : i32
      %get3A_333 = arith.index_cast %add3A_332 : i32 to index
      %get3A_334 = tpu.vector_load %arg5[%get3A_333] {strides = array<i32>} : memref<1536xf32, #tpu.memory_space<vmem>>, vector<16xf32>,
      %get3A_335 = vector.shape_cast %get3A_334 : vector<16xf32> to vector<16xf32>
      %add3A_336 = arith.constant 512 : i32
      %add3A_337 = arith.addi %add3A_336, %add3A_332 : i32
      %get3A_338 = arith.index_cast %add3A_337 : i32 to index
      %get3A_339 = tpu.vector_load %arg5[%get3A_338] {strides = array<i32>} : memref<1536xf32, #tpu.memory_space<vmem>>, vector<16xf32>,
      %get3A_340 = vector.shape_cast %get3A_339 : vector<16xf32> to vector<16xf32>
      %add3A_341 = arith.constant 1024 : i32
      %add3A_342 = arith.addi %add3A_341, %add3A_332 : i32
      %get3A_343 = arith.index_cast %add3A_342 : i32 to index
      %get3A_344 = tpu.vector_load %arg5[%get3A_343] {strides = array<i32>} : memref<1536xf32, #tpu.memory_space<vmem>>, vector<16xf32>,
      %get3A_345 = vector.shape_cast %get3A_344 : vector<16xf32> to vector<16xf32>
      %mul3A_346 = arith.constant 128 : i32
      %mul3A_347 = arith.muli %select_n3A_9, %mul3A_346 : i32
      %add3A_348 = arith.constant 80 : i32
      %add3A_349 = arith.addi %mul3A_347, %add3A_348 : i32
      %get3A_350 = arith.index_cast %add3A_349 : i32 to index
      %get3A_351 = tpu.vector_load %arg5[%get3A_350] {strides = array<i32>} : memref<1536xf32, #tpu.memory_space<vmem>>, vector<16xf32>,
      %get3A_352 = vector.shape_cast %get3A_351 : vector<16xf32> to vector<16xf32>
      %add3A_353 = arith.constant 512 : i32
      %add3A_354 = arith.addi %add3A_353, %add3A_349 : i32
      %get3A_355 = arith.index_cast %add3A_354 : i32 to index
      %get3A_356 = tpu.vector_load %arg5[%get3A_355] {strides = array<i32>} : memref<1536xf32, #tpu.memory_space<vmem>>, vector<16xf32>,
      %get3A_357 = vector.shape_cast %get3A_356 : vector<16xf32> to vector<16xf32>
      %add3A_358 = arith.constant 1024 : i32
      %add3A_359 = arith.addi %add3A_358, %add3A_349 : i32
      %get3A_360 = arith.index_cast %add3A_359 : i32 to index
      %get3A_361 = tpu.vector_load %arg5[%get3A_360] {strides = array<i32>} : memref<1536xf32, #tpu.memory_space<vmem>>, vector<16xf32>,
      %get3A_362 = vector.shape_cast %get3A_361 : vector<16xf32> to vector<16xf32>
      %mul3A_363 = arith.constant 128 : i32
      %mul3A_364 = arith.muli %select_n3A_9, %mul3A_363 : i32
      %add3A_365 = arith.constant 96 : i32
      %add3A_366 = arith.addi %mul3A_364, %add3A_365 : i32
      %get3A_367 = arith.index_cast %add3A_366 : i32 to index
      %get3A_368 = tpu.vector_load %arg5[%get3A_367] {strides = array<i32>} : memref<1536xf32, #tpu.memory_space<vmem>>, vector<16xf32>,
      %get3A_369 = vector.shape_cast %get3A_368 : vector<16xf32> to vector<16xf32>
      %add3A_370 = arith.constant 512 : i32
      %add3A_371 = arith.addi %add3A_370, %add3A_366 : i32
      %get3A_372 = arith.index_cast %add3A_371 : i32 to index
      %get3A_373 = tpu.vector_load %arg5[%get3A_372] {strides = array<i32>} : memref<1536xf32, #tpu.memory_space<vmem>>, vector<16xf32>,
      %get3A_374 = vector.shape_cast %get3A_373 : vector<16xf32> to vector<16xf32>
      %add3A_375 = arith.constant 1024 : i32
      %add3A_376 = arith.addi %add3A_375, %add3A_366 : i32
      %get3A_377 = arith.index_cast %add3A_376 : i32 to index
      %get3A_378 = tpu.vector_load %arg5[%get3A_377] {strides = array<i32>} : memref<1536xf32, #tpu.memory_space<vmem>>, vector<16xf32>,
      %get3A_379 = vector.shape_cast %get3A_378 : vector<16xf32> to vector<16xf32>
      %mul3A_380 = arith.constant 128 : i32
      %mul3A_381 = arith.muli %select_n3A_9, %mul3A_380 : i32
      %add3A_382 = arith.constant 112 : i32
      %add3A_383 = arith.addi %mul3A_381, %add3A_382 : i32
      %get3A_384 = arith.index_cast %add3A_383 : i32 to index
      %get3A_385 = tpu.vector_load %arg5[%get3A_384] {strides = array<i32>} : memref<1536xf32, #tpu.memory_space<vmem>>, vector<16xf32>,
      %get3A_386 = vector.shape_cast %get3A_385 : vector<16xf32> to vector<16xf32>
      %add3A_387 = arith.constant 512 : i32
      %add3A_388 = arith.addi %add3A_387, %add3A_383 : i32
      %get3A_389 = arith.index_cast %add3A_388 : i32 to index
      %get3A_390 = tpu.vector_load %arg5[%get3A_389] {strides = array<i32>} : memref<1536xf32, #tpu.memory_space<vmem>>, vector<16xf32>,
      %get3A_391 = vector.shape_cast %get3A_390 : vector<16xf32> to vector<16xf32>
      %add3A_392 = arith.constant 1024 : i32
      %add3A_393 = arith.addi %add3A_392, %add3A_383 : i32
      %get3A_394 = arith.index_cast %add3A_393 : i32 to index
      %get3A_395 = tpu.vector_load %arg5[%get3A_394] {strides = array<i32>} : memref<1536xf32, #tpu.memory_space<vmem>>, vector<16xf32>,
      %get3A_396 = vector.shape_cast %get3A_395 : vector<16xf32> to vector<16xf32>
      %parallel_loop3A_397 = arith.constant 0 : i32
      %parallel_loop3A_398 = arith.constant 128 : i32
      %parallel_loop3A_399 = arith.constant 1 : i32
      scf.for %parallel_loop3A_420 = %parallel_loop3A_397 to %parallel_loop3A_398 step %parallel_loop3A_399  : i32 {
        %parallel_loop3A_421 = arith.constant 16 : i32
        %parallel_loop3A_422 = arith.muli %parallel_loop3A_420, %parallel_loop3A_421 : i32
        %parallel_loop3A_423 = arith.constant 1 : i32
        %parallel_loop3A_424 = arith.constant 0 : i32
        %parallel_loop3A_425 = tpu.memref_slice %arg6[%parallel_loop3A_423, %parallel_loop3A_424] : memref<2x2048xi32, #tpu.memory_space<vmem>> -> memref<1x2048xi32, #tpu.memory_space<vmem>>
        %parallel_loop3A_426 = tpu.memref_squeeze %parallel_loop3A_425 : memref<1x2048xi32, #tpu.memory_space<vmem>> -> memref<2048xi32, #tpu.memory_space<vmem>>
        %parallel_loop3A_427 = arith.index_cast %parallel_loop3A_422 : i32 to index
        %parallel_loop3A_428 = tpu.vector_load %parallel_loop3A_426[%parallel_loop3A_427] {strides = array<i32>} : memref<2048xi32, #tpu.memory_space<vmem>>, vector<16xi32>,
        %parallel_loop3A_429 = vector.shape_cast %parallel_loop3A_428 : vector<16xi32> to vector<16xi32>
        %parallel_loop3A_430 = arith.constant 0 : i32
        %parallel_loop3A_431 = vector.broadcast %parallel_loop3A_430 : i32 to vector<16xi32>
        %parallel_loop3A_432 = arith.cmpi eq, %parallel_loop3A_429, %parallel_loop3A_431 : vector<16xi32>
        %parallel_loop3A_433 = arith.constant 1 : i32
        %parallel_loop3A_434 = vector.broadcast %parallel_loop3A_433 : i32 to vector<16xi32>
        %parallel_loop3A_435 = arith.cmpi eq, %parallel_loop3A_429, %parallel_loop3A_434 : vector<16xi32>
        %parallel_loop3A_436 = arith.constant 8 : i32
        %parallel_loop3A_437 = arith.divsi %parallel_loop3A_420, %parallel_loop3A_436 : i32
        %parallel_loop3A_438 = arith.constant 0 : i32
        %parallel_loop3A_439 = arith.cmpi sgt, %parallel_loop3A_420, %parallel_loop3A_438 : i32
        %parallel_loop3A_440 = arith.extui %parallel_loop3A_439 : i1 to i32
        %parallel_loop3A_441 = arith.constant 0 : i32
        %parallel_loop3A_442 = arith.cmpi slt, %parallel_loop3A_420, %parallel_loop3A_441 : i32
        %parallel_loop3A_443 = arith.extui %parallel_loop3A_442 : i1 to i32
        %parallel_loop3A_444 = arith.subi %parallel_loop3A_440, %parallel_loop3A_443 : i32
        %parallel_loop3A_445 = arith.constant 0 : i32
        %parallel_loop3A_446 = arith.cmpi sgt, %parallel_loop3A_436, %parallel_loop3A_445 : i32
        %parallel_loop3A_447 = arith.extui %parallel_loop3A_446 : i1 to i32
        %parallel_loop3A_448 = arith.constant 0 : i32
        %parallel_loop3A_449 = arith.cmpi slt, %parallel_loop3A_436, %parallel_loop3A_448 : i32
        %parallel_loop3A_450 = arith.extui %parallel_loop3A_449 : i1 to i32
        %parallel_loop3A_451 = arith.subi %parallel_loop3A_447, %parallel_loop3A_450 : i32
        %parallel_loop3A_452 = arith.cmpi ne, %parallel_loop3A_444, %parallel_loop3A_451 : i32
        %parallel_loop3A_453 = arith.remsi %parallel_loop3A_420, %parallel_loop3A_436 : i32
        %parallel_loop3A_454 = arith.constant 0 : i32
        %parallel_loop3A_455 = arith.cmpi ne, %parallel_loop3A_453, %parallel_loop3A_454 : i32
        %parallel_loop3A_456 = arith.andi %parallel_loop3A_452, %parallel_loop3A_455 : i1
        %parallel_loop3A_457 = arith.constant 1 : i32
        %parallel_loop3A_458 = arith.subi %parallel_loop3A_437, %parallel_loop3A_457 : i32
        %parallel_loop3A_459 = arith.select %parallel_loop3A_456, %parallel_loop3A_458, %parallel_loop3A_437 : i32
        %parallel_loop3A_460 = arith.constant 1024 : i32
        %parallel_loop3A_461 = arith.muli %parallel_loop3A_459, %parallel_loop3A_460 : i32
        %parallel_loop3A_462 = arith.constant 8 : i32
        %parallel_loop3A_463 = arith.constant 0 : i32
        %parallel_loop3A_464 = arith.cmpi eq, %parallel_loop3A_462, %parallel_loop3A_463 : i32
        %parallel_loop3A_465 = arith.constant 1 : i32
        %parallel_loop3A_466 = arith.select %parallel_loop3A_464, %parallel_loop3A_465, %parallel_loop3A_462 : i32
        %parallel_loop3A_467 = arith.remsi %parallel_loop3A_420, %parallel_loop3A_466 : i32
        %parallel_loop3A_468 = arith.constant 0 : i32
        %parallel_loop3A_469 = arith.cmpi ne, %parallel_loop3A_467, %parallel_loop3A_468 : i32
        %parallel_loop3A_470 = arith.constant 0 : i32
        %parallel_loop3A_471 = arith.cmpi slt, %parallel_loop3A_467, %parallel_loop3A_470 : i32
        %parallel_loop3A_472 = arith.constant 0 : i32
        %parallel_loop3A_473 = arith.cmpi slt, %parallel_loop3A_466, %parallel_loop3A_472 : i32
        %parallel_loop3A_474 = arith.xori %parallel_loop3A_471, %parallel_loop3A_473 : i1
        %parallel_loop3A_475 = arith.andi %parallel_loop3A_474, %parallel_loop3A_469 : i1
        %parallel_loop3A_476 = arith.addi %parallel_loop3A_467, %parallel_loop3A_466 : i32
        %parallel_loop3A_477 = arith.select %parallel_loop3A_475, %parallel_loop3A_476, %parallel_loop3A_467 : i32
        %parallel_loop3A_478 = arith.constant 16 : i32
        %parallel_loop3A_479 = arith.muli %parallel_loop3A_477, %parallel_loop3A_478 : i32
        %parallel_loop3A_480 = arith.addi %parallel_loop3A_461, %parallel_loop3A_479 : i32
        %parallel_loop3A_481 = arith.select %parallel_loop3A_435, %get3A_272, %get3A_277 : vector<16xi1>, vector<16xf32>
        %parallel_loop3A_482 = arith.select %parallel_loop3A_432, %get3A_267, %parallel_loop3A_481 : vector<16xi1>, vector<16xf32>
        %parallel_loop3A_483 = arith.constant 0 : i32
        %parallel_loop3A_484 = arith.addi %parallel_loop3A_480, %parallel_loop3A_483 : i32
        %parallel_loop3A_485 = arith.constant 1 : i32
        %parallel_loop3A_486 = arith.constant 0 : i32
        %parallel_loop3A_487 = tpu.memref_slice %arg7[%parallel_loop3A_485, %parallel_loop3A_486] : memref<2x16384xf32, #tpu.memory_space<vmem>> -> memref<1x16384xf32, #tpu.memory_space<vmem>>
        %parallel_loop3A_488 = tpu.memref_squeeze %parallel_loop3A_487 : memref<1x16384xf32, #tpu.memory_space<vmem>> -> memref<16384xf32, #tpu.memory_space<vmem>>
        %parallel_loop3A_489 = arith.index_cast %parallel_loop3A_484 : i32 to index
        %parallel_loop3A_490 = tpu.vector_load %parallel_loop3A_488[%parallel_loop3A_489] {strides = array<i32>} : memref<16384xf32, #tpu.memory_space<vmem>>, vector<16xf32>,
        %parallel_loop3A_491 = vector.shape_cast %parallel_loop3A_490 : vector<16xf32> to vector<16xf32>
        %parallel_loop3A_492 = vector.shape_cast %parallel_loop3A_482 : vector<16xf32> to vector<16xf32>
        tpu.vector_store %parallel_loop3A_488[%parallel_loop3A_489], %parallel_loop3A_492 {strides = array<i32>} : memref<16384xf32, #tpu.memory_space<vmem>>, vector<16xf32>,
        %parallel_loop3A_493 = arith.select %parallel_loop3A_435, %get3A_289, %get3A_294 : vector<16xi1>, vector<16xf32>
        %parallel_loop3A_494 = arith.select %parallel_loop3A_432, %get3A_284, %parallel_loop3A_493 : vector<16xi1>, vector<16xf32>
        %parallel_loop3A_495 = arith.constant 128 : i32
        %parallel_loop3A_496 = arith.addi %parallel_loop3A_480, %parallel_loop3A_495 : i32
        %parallel_loop3A_497 = arith.constant 1 : i32
        %parallel_loop3A_498 = arith.constant 0 : i32
        %parallel_loop3A_499 = tpu.memref_slice %arg7[%parallel_loop3A_497, %parallel_loop3A_498] : memref<2x16384xf32, #tpu.memory_space<vmem>> -> memref<1x16384xf32, #tpu.memory_space<vmem>>
        %parallel_loop3A_500 = tpu.memref_squeeze %parallel_loop3A_499 : memref<1x16384xf32, #tpu.memory_space<vmem>> -> memref<16384xf32, #tpu.memory_space<vmem>>
        %parallel_loop3A_501 = arith.index_cast %parallel_loop3A_496 : i32 to index
        %parallel_loop3A_502 = tpu.vector_load %parallel_loop3A_500[%parallel_loop3A_501] {strides = array<i32>} : memref<16384xf32, #tpu.memory_space<vmem>>, vector<16xf32>,
        %parallel_loop3A_503 = vector.shape_cast %parallel_loop3A_502 : vector<16xf32> to vector<16xf32>
        %parallel_loop3A_504 = vector.shape_cast %parallel_loop3A_494 : vector<16xf32> to vector<16xf32>
        tpu.vector_store %parallel_loop3A_500[%parallel_loop3A_501], %parallel_loop3A_504 {strides = array<i32>} : memref<16384xf32, #tpu.memory_space<vmem>>, vector<16xf32>,
        %parallel_loop3A_505 = arith.select %parallel_loop3A_435, %get3A_306, %get3A_311 : vector<16xi1>, vector<16xf32>
        %parallel_loop3A_506 = arith.select %parallel_loop3A_432, %get3A_301, %parallel_loop3A_505 : vector<16xi1>, vector<16xf32>
        %parallel_loop3A_507 = arith.constant 256 : i32
        %parallel_loop3A_508 = arith.addi %parallel_loop3A_480, %parallel_loop3A_507 : i32
        %parallel_loop3A_509 = arith.constant 1 : i32
        %parallel_loop3A_510 = arith.constant 0 : i32
        %parallel_loop3A_511 = tpu.memref_slice %arg7[%parallel_loop3A_509, %parallel_loop3A_510] : memref<2x16384xf32, #tpu.memory_space<vmem>> -> memref<1x16384xf32, #tpu.memory_space<vmem>>
        %parallel_loop3A_512 = tpu.memref_squeeze %parallel_loop3A_511 : memref<1x16384xf32, #tpu.memory_space<vmem>> -> memref<16384xf32, #tpu.memory_space<vmem>>
        %parallel_loop3A_513 = arith.index_cast %parallel_loop3A_508 : i32 to index
        %parallel_loop3A_514 = tpu.vector_load %parallel_loop3A_512[%parallel_loop3A_513] {strides = array<i32>} : memref<16384xf32, #tpu.memory_space<vmem>>, vector<16xf32>,
        %parallel_loop3A_515 = vector.shape_cast %parallel_loop3A_514 : vector<16xf32> to vector<16xf32>
        %parallel_loop3A_516 = vector.shape_cast %parallel_loop3A_506 : vector<16xf32> to vector<16xf32>
        tpu.vector_store %parallel_loop3A_512[%parallel_loop3A_513], %parallel_loop3A_516 {strides = array<i32>} : memref<16384xf32, #tpu.memory_space<vmem>>, vector<16xf32>,
        %parallel_loop3A_517 = arith.select %parallel_loop3A_435, %get3A_323, %get3A_328 : vector<16xi1>, vector<16xf32>
        %parallel_loop3A_518 = arith.select %parallel_loop3A_432, %get3A_318, %parallel_loop3A_517 : vector<16xi1>, vector<16xf32>
        %parallel_loop3A_519 = arith.constant 384 : i32
        %parallel_loop3A_520 = arith.addi %parallel_loop3A_480, %parallel_loop3A_519 : i32
        %parallel_loop3A_521 = arith.constant 1 : i32
        %parallel_loop3A_522 = arith.constant 0 : i32
        %parallel_loop3A_523 = tpu.memref_slice %arg7[%parallel_loop3A_521, %parallel_loop3A_522] : memref<2x16384xf32, #tpu.memory_space<vmem>> -> memref<1x16384xf32, #tpu.memory_space<vmem>>
        %parallel_loop3A_524 = tpu.memref_squeeze %parallel_loop3A_523 : memref<1x16384xf32, #tpu.memory_space<vmem>> -> memref<16384xf32, #tpu.memory_space<vmem>>
        %parallel_loop3A_525 = arith.index_cast %parallel_loop3A_520 : i32 to index
        %parallel_loop3A_526 = tpu.vector_load %parallel_loop3A_524[%parallel_loop3A_525] {strides = array<i32>} : memref<16384xf32, #tpu.memory_space<vmem>>, vector<16xf32>,
        %parallel_loop3A_527 = vector.shape_cast %parallel_loop3A_526 : vector<16xf32> to vector<16xf32>
        %parallel_loop3A_528 = vector.shape_cast %parallel_loop3A_518 : vector<16xf32> to vector<16xf32>
        tpu.vector_store %parallel_loop3A_524[%parallel_loop3A_525], %parallel_loop3A_528 {strides = array<i32>} : memref<16384xf32, #tpu.memory_space<vmem>>, vector<16xf32>,
        %parallel_loop3A_529 = arith.select %parallel_loop3A_435, %get3A_340, %get3A_345 : vector<16xi1>, vector<16xf32>
        %parallel_loop3A_530 = arith.select %parallel_loop3A_432, %get3A_335, %parallel_loop3A_529 : vector<16xi1>, vector<16xf32>
        %parallel_loop3A_531 = arith.constant 512 : i32
        %parallel_loop3A_532 = arith.addi %parallel_loop3A_480, %parallel_loop3A_531 : i32
        %parallel_loop3A_533 = arith.constant 1 : i32
        %parallel_loop3A_534 = arith.constant 0 : i32
        %parallel_loop3A_535 = tpu.memref_slice %arg7[%parallel_loop3A_533, %parallel_loop3A_534] : memref<2x16384xf32, #tpu.memory_space<vmem>> -> memref<1x16384xf32, #tpu.memory_space<vmem>>
        %parallel_loop3A_536 = tpu.memref_squeeze %parallel_loop3A_535 : memref<1x16384xf32, #tpu.memory_space<vmem>> -> memref<16384xf32, #tpu.memory_space<vmem>>
        %parallel_loop3A_537 = arith.index_cast %parallel_loop3A_532 : i32 to index
        %parallel_loop3A_538 = tpu.vector_load %parallel_loop3A_536[%parallel_loop3A_537] {strides = array<i32>} : memref<16384xf32, #tpu.memory_space<vmem>>, vector<16xf32>,
        %parallel_loop3A_539 = vector.shape_cast %parallel_loop3A_538 : vector<16xf32> to vector<16xf32>
        %parallel_loop3A_540 = vector.shape_cast %parallel_loop3A_530 : vector<16xf32> to vector<16xf32>
        tpu.vector_store %parallel_loop3A_536[%parallel_loop3A_537], %parallel_loop3A_540 {strides = array<i32>} : memref<16384xf32, #tpu.memory_space<vmem>>, vector<16xf32>,
        %parallel_loop3A_541 = arith.select %parallel_loop3A_435, %get3A_357, %get3A_362 : vector<16xi1>, vector<16xf32>
        %parallel_loop3A_542 = arith.select %parallel_loop3A_432, %get3A_352, %parallel_loop3A_541 : vector<16xi1>, vector<16xf32>
        %parallel_loop3A_543 = arith.constant 640 : i32
        %parallel_loop3A_544 = arith.addi %parallel_loop3A_480, %parallel_loop3A_543 : i32
        %parallel_loop3A_545 = arith.constant 1 : i32
        %parallel_loop3A_546 = arith.constant 0 : i32
        %parallel_loop3A_547 = tpu.memref_slice %arg7[%parallel_loop3A_545, %parallel_loop3A_546] : memref<2x16384xf32, #tpu.memory_space<vmem>> -> memref<1x16384xf32, #tpu.memory_space<vmem>>
        %parallel_loop3A_548 = tpu.memref_squeeze %parallel_loop3A_547 : memref<1x16384xf32, #tpu.memory_space<vmem>> -> memref<16384xf32, #tpu.memory_space<vmem>>
        %parallel_loop3A_549 = arith.index_cast %parallel_loop3A_544 : i32 to index
        %parallel_loop3A_550 = tpu.vector_load %parallel_loop3A_548[%parallel_loop3A_549] {strides = array<i32>} : memref<16384xf32, #tpu.memory_space<vmem>>, vector<16xf32>,
        %parallel_loop3A_551 = vector.shape_cast %parallel_loop3A_550 : vector<16xf32> to vector<16xf32>
        %parallel_loop3A_552 = vector.shape_cast %parallel_loop3A_542 : vector<16xf32> to vector<16xf32>
        tpu.vector_store %parallel_loop3A_548[%parallel_loop3A_549], %parallel_loop3A_552 {strides = array<i32>} : memref<16384xf32, #tpu.memory_space<vmem>>, vector<16xf32>,
        %parallel_loop3A_553 = arith.select %parallel_loop3A_435, %get3A_374, %get3A_379 : vector<16xi1>, vector<16xf32>
        %parallel_loop3A_554 = arith.select %parallel_loop3A_432, %get3A_369, %parallel_loop3A_553 : vector<16xi1>, vector<16xf32>
        %parallel_loop3A_555 = arith.constant 768 : i32
        %parallel_loop3A_556 = arith.addi %parallel_loop3A_480, %parallel_loop3A_555 : i32
        %parallel_loop3A_557 = arith.constant 1 : i32
        %parallel_loop3A_558 = arith.constant 0 : i32
        %parallel_loop3A_559 = tpu.memref_slice %arg7[%parallel_loop3A_557, %parallel_loop3A_558] : memref<2x16384xf32, #tpu.memory_space<vmem>> -> memref<1x16384xf32, #tpu.memory_space<vmem>>
        %parallel_loop3A_560 = tpu.memref_squeeze %parallel_loop3A_559 : memref<1x16384xf32, #tpu.memory_space<vmem>> -> memref<16384xf32, #tpu.memory_space<vmem>>
        %parallel_loop3A_561 = arith.index_cast %parallel_loop3A_556 : i32 to index
        %parallel_loop3A_562 = tpu.vector_load %parallel_loop3A_560[%parallel_loop3A_561] {strides = array<i32>} : memref<16384xf32, #tpu.memory_space<vmem>>, vector<16xf32>,
        %parallel_loop3A_563 = vector.shape_cast %parallel_loop3A_562 : vector<16xf32> to vector<16xf32>
        %parallel_loop3A_564 = vector.shape_cast %parallel_loop3A_554 : vector<16xf32> to vector<16xf32>
        tpu.vector_store %parallel_loop3A_560[%parallel_loop3A_561], %parallel_loop3A_564 {strides = array<i32>} : memref<16384xf32, #tpu.memory_space<vmem>>, vector<16xf32>,
        %parallel_loop3A_565 = arith.select %parallel_loop3A_435, %get3A_391, %get3A_396 : vector<16xi1>, vector<16xf32>
        %parallel_loop3A_566 = arith.select %parallel_loop3A_432, %get3A_386, %parallel_loop3A_565 : vector<16xi1>, vector<16xf32>
        %parallel_loop3A_567 = arith.constant 896 : i32
        %parallel_loop3A_568 = arith.addi %parallel_loop3A_480, %parallel_loop3A_567 : i32
        %parallel_loop3A_569 = arith.constant 1 : i32
        %parallel_loop3A_570 = arith.constant 0 : i32
        %parallel_loop3A_571 = tpu.memref_slice %arg7[%parallel_loop3A_569, %parallel_loop3A_570] : memref<2x16384xf32, #tpu.memory_space<vmem>> -> memref<1x16384xf32, #tpu.memory_space<vmem>>
        %parallel_loop3A_572 = tpu.memref_squeeze %parallel_loop3A_571 : memref<1x16384xf32, #tpu.memory_space<vmem>> -> memref<16384xf32, #tpu.memory_space<vmem>>
        %parallel_loop3A_573 = arith.index_cast %parallel_loop3A_568 : i32 to index
        %parallel_loop3A_574 = tpu.vector_load %parallel_loop3A_572[%parallel_loop3A_573] {strides = array<i32>} : memref<16384xf32, #tpu.memory_space<vmem>>, vector<16xf32>,
        %parallel_loop3A_575 = vector.shape_cast %parallel_loop3A_574 : vector<16xf32> to vector<16xf32>
        %parallel_loop3A_576 = vector.shape_cast %parallel_loop3A_566 : vector<16xf32> to vector<16xf32>
        tpu.vector_store %parallel_loop3A_572[%parallel_loop3A_573], %parallel_loop3A_576 {strides = array<i32>} : memref<16384xf32, #tpu.memory_space<vmem>>, vector<16xf32>,
      } {sc.loop_unroll_factor = 2 : i64, sc.parallel_access}
      %mul3A_400 = arith.constant 524288 : i32
      %mul3A_401 = arith.muli %add3A_243, %mul3A_400 : i32
      %mul3A_402 = arith.constant 131072 : i32
      %mul3A_403 = arith.muli %select_n3A_9, %mul3A_402 : i32
      %add3A_404 = arith.addi %mul3A_401, %mul3A_403 : i32
      %mul3A_405 = arith.constant 16384 : i32
      %mul3A_406 = arith.muli %select_n3A_30, %mul3A_405 : i32
      %add3A_407 = arith.addi %add3A_404, %mul3A_406 : i32
      %dma_start3A_408 = arith.constant 1 : i32
      %dma_start3A_409 = arith.constant 1 : i32
      %dma_start3A_410 = arith.constant 0 : i32
      %dma_start3A_411 = tpu.memref_slice %arg7[%dma_start3A_408, %dma_start3A_410] : memref<2x16384xf32, #tpu.memory_space<vmem>> -> memref<1x16384xf32, #tpu.memory_space<vmem>>
      %dma_start3A_412 = tpu.memref_squeeze %dma_start3A_411 : memref<1x16384xf32, #tpu.memory_space<vmem>> -> memref<16384xf32, #tpu.memory_space<vmem>>
      %dma_start3A_413 = tpu.memref_slice %arg4[%add3A_407] : memref<104857600xf32, #tpu.memory_space<hbm>> -> memref<16384xf32, #tpu.memory_space<hbm>>
      %dma_start3A_414 = tpu.memref_slice %arg9[%dma_start3A_409] : memref<2x!tpu.dma_semaphore, #tpu.memory_space<semaphore_mem>> -> memref<1x!tpu.dma_semaphore, #tpu.memory_space<semaphore_mem>>
      %dma_start3A_415 = tpu.memref_squeeze %dma_start3A_414 : memref<1x!tpu.dma_semaphore, #tpu.memory_space<semaphore_mem>> -> memref<!tpu.dma_semaphore, #tpu.memory_space<semaphore_mem>>
      %dma_start3A_416 = tpu.memref_slice %arg4[%add3A_407] : memref<104857600xf32, #tpu.memory_space<hbm>> -> memref<16384xf32, #tpu.memory_space<hbm>>
      %dma_start3A_417 = arith.constant 0 : i32
      %dma_start3A_418 = tpu.memref_slice %arg7[%dma_start3A_408, %dma_start3A_417] : memref<2x16384xf32, #tpu.memory_space<vmem>> -> memref<1x16384xf32, #tpu.memory_space<vmem>>
      %dma_start3A_419 = tpu.memref_squeeze %dma_start3A_418 : memref<1x16384xf32, #tpu.memory_space<vmem>> -> memref<16384xf32, #tpu.memory_space<vmem>>
      tpu.enqueue_dma source(%dma_start3A_419 : memref<16384xf32, #tpu.memory_space<vmem>>) target(%dma_start3A_416 : memref<16384xf32, #tpu.memory_space<hbm>>) target_semaphore(%dma_start3A_415 : memref<!tpu.dma_semaphore, #tpu.memory_space<semaphore_mem>>)
    }
    %scan3A_38 = arith.constant 100 : i32
    %dma_wait3A = arith.constant 0 : i32
    %dma_wait3A_39 = arith.constant 0 : i32
    %dma_wait3A_40 = arith.constant 0 : i32
    %dma_wait3A_41 = tpu.memref_slice %arg7[%dma_wait3A, %dma_wait3A_40] : memref<2x16384xf32, #tpu.memory_space<vmem>> -> memref<1x16384xf32, #tpu.memory_space<vmem>>
    %dma_wait3A_42 = tpu.memref_squeeze %dma_wait3A_41 : memref<1x16384xf32, #tpu.memory_space<vmem>> -> memref<16384xf32, #tpu.memory_space<vmem>>
    %dma_wait3A_43 = arith.constant 0 : i32
    %dma_wait3A_44 = tpu.memref_slice %arg4[%dma_wait3A_43] : memref<104857600xf32, #tpu.memory_space<hbm>> -> memref<16384xf32, #tpu.memory_space<hbm>>
    %dma_wait3A_45 = tpu.memref_slice %arg9[%dma_wait3A_39] : memref<2x!tpu.dma_semaphore, #tpu.memory_space<semaphore_mem>> -> memref<1x!tpu.dma_semaphore, #tpu.memory_space<semaphore_mem>>
    %dma_wait3A_46 = tpu.memref_squeeze %dma_wait3A_45 : memref<1x!tpu.dma_semaphore, #tpu.memory_space<semaphore_mem>> -> memref<!tpu.dma_semaphore, #tpu.memory_space<semaphore_mem>>
    %dma_wait3A_47 = arith.constant 0 : i32
    %dma_wait3A_48 = tpu.memref_slice %arg4[%dma_wait3A_47] : memref<104857600xf32, #tpu.memory_space<hbm>> -> memref<16384xf32, #tpu.memory_space<hbm>>
    %dma_wait3A_49 = arith.constant 0 : i32
    %dma_wait3A_50 = tpu.memref_slice %arg7[%dma_wait3A, %dma_wait3A_49] : memref<2x16384xf32, #tpu.memory_space<vmem>> -> memref<1x16384xf32, #tpu.memory_space<vmem>>
    %dma_wait3A_51 = tpu.memref_squeeze %dma_wait3A_50 : memref<1x16384xf32, #tpu.memory_space<vmem>> -> memref<16384xf32, #tpu.memory_space<vmem>>
    tpu.wait_dma2 semaphore(%dma_wait3A_46 : memref<!tpu.dma_semaphore, #tpu.memory_space<semaphore_mem>>) src(%dma_wait3A_51 : memref<16384xf32, #tpu.memory_space<vmem>>) dst(%dma_wait3A_48 : memref<16384xf32, #tpu.memory_space<hbm>>)
    %dma_wait3A_52 = arith.constant 1 : i32
    %dma_wait3A_53 = arith.constant 1 : i32
    %dma_wait3A_54 = arith.constant 0 : i32
    %dma_wait3A_55 = tpu.memref_slice %arg7[%dma_wait3A_52, %dma_wait3A_54] : memref<2x16384xf32, #tpu.memory_space<vmem>> -> memref<1x16384xf32, #tpu.memory_space<vmem>>
    %dma_wait3A_56 = tpu.memref_squeeze %dma_wait3A_55 : memref<1x16384xf32, #tpu.memory_space<vmem>> -> memref<16384xf32, #tpu.memory_space<vmem>>
    %dma_wait3A_57 = arith.constant 0 : i32
    %dma_wait3A_58 = tpu.memref_slice %arg4[%dma_wait3A_57] : memref<104857600xf32, #tpu.memory_space<hbm>> -> memref<16384xf32, #tpu.memory_space<hbm>>
    %dma_wait3A_59 = tpu.memref_slice %arg9[%dma_wait3A_53] : memref<2x!tpu.dma_semaphore, #tpu.memory_space<semaphore_mem>> -> memref<1x!tpu.dma_semaphore, #tpu.memory_space<semaphore_mem>>
    %dma_wait3A_60 = tpu.memref_squeeze %dma_wait3A_59 : memref<1x!tpu.dma_semaphore, #tpu.memory_space<semaphore_mem>> -> memref<!tpu.dma_semaphore, #tpu.memory_space<semaphore_mem>>
    %dma_wait3A_61 = arith.constant 0 : i32
    %dma_wait3A_62 = tpu.memref_slice %arg4[%dma_wait3A_61] : memref<104857600xf32, #tpu.memory_space<hbm>> -> memref<16384xf32, #tpu.memory_space<hbm>>
    %dma_wait3A_63 = arith.constant 0 : i32
    %dma_wait3A_64 = tpu.memref_slice %arg7[%dma_wait3A_52, %dma_wait3A_63] : memref<2x16384xf32, #tpu.memory_space<vmem>> -> memref<1x16384xf32, #tpu.memory_space<vmem>>
    %dma_wait3A_65 = tpu.memref_squeeze %dma_wait3A_64 : memref<1x16384xf32, #tpu.memory_space<vmem>> -> memref<16384xf32, #tpu.memory_space<vmem>>
    tpu.wait_dma2 semaphore(%dma_wait3A_60 : memref<!tpu.dma_semaphore, #tpu.memory_space<semaphore_mem>>) src(%dma_wait3A_65 : memref<16384xf32, #tpu.memory_space<vmem>>) dst(%dma_wait3A_62 : memref<16384xf32, #tpu.memory_space<hbm>>)
    return
  }
}

module attributes {stable_mosaic.version = 14 : i64} {
  func.func @_ln_body(%arg0: memref<3x32xf32, #tpu.memory_space<vmem>>, %arg1: memref<1x32xf32, #tpu.memory_space<vmem>>, %arg2: memref<1x32xf32, #tpu.memory_space<vmem>>, %arg3: memref<3x32xf32, #tpu.memory_space<vmem>>) attributes {dimension_semantics = [], scalar_prefetch = 0 : i64, scratch_operands = 0 : i64, tpu.core_type = #tpu.core_type<tc>} {
    %get3A = arith.constant 0 : index
    %get3A_0 = arith.constant 0 : index
    %get3A_1 = vector.load %arg0[%get3A, %get3A_0] : memref<3x32xf32, #tpu.memory_space<vmem>>, vector<3x32xf32>
    %reduce_sum3A = arith.constant dense<0.000000e+00> : vector<3xf32>
    %reduce_sum3A_2 = vector.multi_reduction <add>, %get3A_1, %reduce_sum3A [1] : vector<3x32xf32> to vector<3xf32>
    %broadcast_in_dim3A = vector.shape_cast %reduce_sum3A_2 : vector<3xf32> to vector<3x1xf32>
    %div3A = arith.constant 3.200000e+01 : f32
    %div3A_3 = vector.broadcast %div3A : f32 to vector<3x1xf32>
    %div3A_4 = arith.divf %broadcast_in_dim3A, %div3A_3 : vector<3x1xf32>
    %sub3A = vector.broadcast %div3A_4 : vector<3x1xf32> to vector<3x32xf32>
    %sub3A_5 = arith.subf %get3A_1, %sub3A : vector<3x32xf32>
    %mul3A = arith.mulf %sub3A_5, %sub3A_5 : vector<3x32xf32>
    %reduce_sum3A_6 = arith.constant dense<0.000000e+00> : vector<3xf32>
    %reduce_sum3A_7 = vector.multi_reduction <add>, %mul3A, %reduce_sum3A_6 [1] : vector<3x32xf32> to vector<3xf32>
    %broadcast_in_dim3A_8 = vector.shape_cast %reduce_sum3A_7 : vector<3xf32> to vector<3x1xf32>
    %div3A_9 = arith.constant 3.200000e+01 : f32
    %div3A_10 = vector.broadcast %div3A_9 : f32 to vector<3x1xf32>
    %div3A_11 = arith.divf %broadcast_in_dim3A_8, %div3A_10 : vector<3x1xf32>
    %add3A = arith.constant 9.99999974E-6 : f32
    %add3A_12 = vector.broadcast %add3A : f32 to vector<3x1xf32>
    %add3A_13 = arith.addf %div3A_11, %add3A_12 : vector<3x1xf32>
    %rsqrt3A = math.rsqrt %add3A_13 : vector<3x1xf32>
    %mul3A_14 = vector.broadcast %rsqrt3A : vector<3x1xf32> to vector<3x32xf32>
    %mul3A_15 = arith.mulf %sub3A_5, %mul3A_14 : vector<3x32xf32>
    %get3A_16 = arith.constant 0 : index
    %get3A_17 = arith.constant 0 : index
    %get3A_18 = vector.load %arg1[%get3A_16, %get3A_17] : memref<1x32xf32, #tpu.memory_space<vmem>>, vector<1x32xf32>
    %mul3A_19 = vector.broadcast %get3A_18 : vector<1x32xf32> to vector<3x32xf32>
    %mul3A_20 = arith.mulf %mul3A_15, %mul3A_19 : vector<3x32xf32>
    %get3A_21 = arith.constant 0 : index
    %get3A_22 = arith.constant 0 : index
    %get3A_23 = vector.load %arg2[%get3A_21, %get3A_22] : memref<1x32xf32, #tpu.memory_space<vmem>>, vector<1x32xf32>
    %add3A_24 = vector.broadcast %get3A_23 : vector<1x32xf32> to vector<3x32xf32>
    %add3A_25 = arith.addf %mul3A_20, %add3A_24 : vector<3x32xf32>
    %swap3A = arith.constant 0 : index
    %swap3A_26 = arith.constant 0 : index
    %swap3A_27 = vector.load %arg3[%swap3A, %swap3A_26] : memref<3x32xf32, #tpu.memory_space<vmem>>, vector<3x32xf32>
    tpu.vector_store %arg3[%swap3A, %swap3A_26], %add3A_25 {strides = array<i32>} : memref<3x32xf32, #tpu.memory_space<vmem>>, vector<3x32xf32>,
    return
  }
}

</mosaic_0001>

<sc_bundles>
// kernel: _run.4.cloned.1.call-start
scs
__scs_entry_jumppad:
0x0: {  	(pc) =	sbr.rel $0x88, $3  }
0x1: {  	(tag) =	ssettag $0x0;
	lr =	simm.s32 $0x1  }
0x2: {  	[smem:$0x3F9D] =	sst lr;
	_ =	strace $0xD0000000  }
0x3: {  	_ = 	snop  }
0x4: {  	_ = 	snop  }
0x5: {  	_ = 	snop  }
0x6: {  	_ = 	snop  }
0x7: {  	_ = 	snop  }
__scs_overlays_trampoline_lowered:
0x8: {  	[smem:$0x3FAC] =	sst s0  }
0x9: {  	[smem:$0x3FAD] =	sst s1  }
0xa: {  	[smem:$0x3FAE] =	sst s2  }
0xb: {  	[smem:$0x3FAF] =	sst s3  }
0xc: {  	[smem:$0x3FB0] =	sst s4  }
0xd: {  	[smem:$0x3FB1] =	sst s5  }
0xe: {  	[smem:$0x3FB2] =	sst s6  }
0xf: {  	[smem:$0x3FB3] =	sst s7  }
0x10: {  	[smem:$0x3FB4] =	sst s8  }
0x11: {  	[smem:$0x3FB5] =	sst s9;
	s0 =	simm.s32 @!p0 $0x0  }
0x12: {  	s1 =	sld [smem:$0x3F9B];
	s0 =	simm.s32 @p0 $0x1  }
0x13: {  	[smem:$0x3FB6] =	sst s0;
	s0 =	simm.s32 @!p1 $0x0  }
0x14: {  	s2 =	sld [smem:$0x3F9A];
	s0 =	simm.s32 @p1 $0x1  }
0x15: {  	[smem:$0x3FB7] =	sst s0;
	s0 =	simm.s32 @!p2 $0x0  }
0x16: {  	s3 =	sld [smem:$0x3FDB];
	s0 =	simm.s32 @p2 $0x1  }
0x17: {  	s4 =	simm.s32 $0x1BF5;
	[smem:$0x3FB9] =	sst s0  }
0x18: {  	s0 =	sld [smem:$0x3F9C];
	_ =	swait.ge [sflag:s4], $0x0  }
0x19: {  	s7 =	sld [smem:$0x3F9D]  }
0x1a: {  	s8 =	sadd.s32 $0xFFFFE003, lr  }
0x1b: {  	s9 =	sadd.s32 $0xFFFFFEF7, lr;
	s5 =	simm.s32 $0xFFFFFFFF;
	p2 =	slt.u32 s8, $0xFFFFF086  }
0x1c: {  	p1 =	slt.u32 s9, $0xF7A;
	s5 =	simm.s32 @!p2 $0x0  }
0x1d: {  	s5 =	simm.s32 @p1 $0x1;
	p0 =	seq.s32 s7, s2  }
0x1e: {  	s7 =	smul.u32 @!p0 $0xF7A, s2;
	p2 =	seq.s32 @!p0 s5, $0x0  }
0x1f: {  	s9 =	smul.u32 $0xF7A, s1;
	s8 =	simm.s32 @!p0 $0x1BF5;
	p2 =	por !p2, p0  }
0x20: {  	[sflag:s8] =	ssyncset.s32 @!p0 $0xFFFFF086;
	s6 =	sadd.s32 @!p0 s3, s7;
	s7 =	simm.s32 @!p0 $0x108  }
0x21: {  	s3 =	sadd.s32 s3, s9;
	s6 =	sadd.s32 @!p0 $0x88, s6;
	s7 =	simm.s32 @p2 $0x1082  }
0x22: {  	[simem:s7], [sflag:s8] =	dma.local @!p0 [hbm:s6], $0xF7A  }
0x23: {  	s9 =	sor.u32 $0xD0000000, s2;
	s6 =	simm.s32 $0x108;
	_ =	swait.ge @!p0 [sflag:s8], $0x0  }
0x24: {  	s3 =	sadd.s32 $0x88, s3;
	s6 =	simm.s32 @!p1 $0x1082;
	[sflag:s4] =	ssyncset.s32 $0xFFFFF086  }
0x25: {  	[simem:s6], [sflag:s4] =	dma.local [hbm:s3], $0xF7A  }
0x26: {  	[smem:$0x3F9D] =	sst s1;
	(tag) =	ssettag s2;
	_ =	strace s9  }
0x27: {  	s1 =	sld [smem:$0x3FAD]  }
0x28: {  	s2 =	sld [smem:$0x3FAE]  }
0x29: {  	s4 =	sld [smem:$0x3FB0]  }
0x2a: {  	p0 =	seq.s32 s5, $0x0;
	s5 =	sld [smem:$0x3FB1]  }
0x2b: {  	s6 =	sld [smem:$0x3FB2]  }
0x2c: {  	s7 =	sld [smem:$0x3FB3]  }
0x2d: {  	s3 =	simm.s32 $0x108;
	s8 =	sld [smem:$0x3FB4]  }
0x2e: {  	s3 =	simm.s32 @!p0 $0x1082;
	s9 =	sld [smem:$0x3FB5]  }
0x2f: {  	lr =	sadd.s32 s0, s3;
	s0 =	sld [smem:$0x3FAC]  }
0x30: {  	s3 =	sld [smem:$0x3FAF]  }
0x31: {  	[smem:$0x3FB8] =	sst s10  }
0x32: {  	s10 =	sld [smem:$0x3FB6];
	_ =	sdelay $0x3  }
0x33: {  	p0 =	seq.s32 s10, $0x1;
	s10 =	sld [smem:$0x3FB8];
	_ =	sdelay $0x3  }
0x34: {  	[smem:$0x3FB8] =	sst s10  }
0x35: {  	s10 =	sld [smem:$0x3FB7];
	_ =	sdelay $0x3  }
0x36: {  	p1 =	seq.s32 s10, $0x1;
	s10 =	sld [smem:$0x3FB8];
	_ =	sdelay $0x3  }
0x37: {  	[smem:$0x3FB8] =	sst s10  }
0x38: {  	s10 =	sld [smem:$0x3FB9]  }
0x39: {  	_ = 	snop;
	(pc) =	sbr.ind lr, $3  }
0x3a: {  	_ = 	snop  }
0x3b: {  	_ = 	snop  }
0x3c: {  	p2 =	seq.s32 s10, $0x1;
	s10 =	sld [smem:$0x3FB8]  }
0x3d: {  	_ =	shalt  }
0x3e: {  	_ =	shalt  }
0x3f: {  	_ =	shalt  }
0x40: {  	_ =	shalt  }
0x41: {  	_ =	shalt  }
0x42: {  	_ =	shalt  }
0x43: {  	_ =	shalt  }
0x44: {  	_ =	shalt  }
0x45: {  	_ =	shalt  }
0x46: {  	_ =	shalt  }
0x47: {  	_ =	shalt  }
0x48: {  	_ =	shalt  }
0x49: {  	_ =	shalt  }
0x4a: {  	_ =	shalt  }
0x4b: {  	_ =	shalt  }
0x4c: {  	_ =	shalt  }
0x4d: {  	_ =	shalt  }
0x4e: {  	_ =	shalt  }
0x4f: {  	_ =	shalt  }
0x50: {  	_ =	shalt  }
0x51: {  	_ =	shalt  }
0x52: {  	_ =	shalt  }
0x53: {  	_ =	shalt  }
0x54: {  	_ =	shalt  }
0x55: {  	_ =	shalt  }
0x56: {  	_ =	shalt  }
0x57: {  	_ =	shalt  }
0x58: {  	_ =	shalt  }
0x59: {  	_ =	shalt  }
0x5a: {  	_ =	shalt  }
0x5b: {  	_ =	shalt  }
0x5c: {  	_ =	shalt  }
0x5d: {  	_ =	shalt  }
0x5e: {  	_ =	shalt  }
0x5f: {  	_ =	shalt  }
0x60: {  	_ =	shalt  }
0x61: {  	_ =	shalt  }
0x62: {  	_ =	shalt  }
0x63: {  	_ =	shalt  }
0x64: {  	_ =	shalt  }
0x65: {  	_ =	shalt  }
0x66: {  	_ =	shalt  }
0x67: {  	_ =	shalt  }
0x68: {  	_ =	shalt  }
0x69: {  	_ =	shalt  }
0x6a: {  	_ =	shalt  }
0x6b: {  	_ =	shalt  }
0x6c: {  	_ =	shalt  }
0x6d: {  	_ =	shalt  }
0x6e: {  	_ =	shalt  }
0x6f: {  	_ =	shalt  }
0x70: {  	_ =	shalt  }
0x71: {  	_ =	shalt  }
0x72: {  	_ =	shalt  }
0x73: {  	_ =	shalt  }
0x74: {  	_ =	shalt  }
0x75: {  	_ =	shalt  }
0x76: {  	_ =	shalt  }
0x77: {  	_ =	shalt  }
0x78: {  	_ =	shalt  }
0x79: {  	_ =	shalt  }
0x7a: {  	_ =	shalt  }
0x7b: {  	_ =	shalt  }
0x7c: {  	_ =	shalt  }
0x7d: {  	_ =	shalt  }
0x7e: {  	_ =	shalt  }
0x7f: {  	_ =	shalt  }
0x80: {  	_ =	shalt  }
0x81: {  	_ =	shalt  }
0x82: {  	_ =	shalt  }
0x83: {  	_ =	shalt  }
0x84: {  	_ =	shalt  }
0x85: {  	_ =	shalt  }
0x86: {  	_ =	shalt  }
0x87: {  	_ =	shalt  }
.Lfunc_end0:
.L_simem_size_0:
called_computation_lowered:
.L_overlay_start_0:
0x88: {  	s2 =	sld [smem:$0x3FD9]  }
0x89: {  	s3 =	sld [smem:$0x3FFE];
	_ =	sdelay $0x1  }
0x8a: {  	s1 =	srdreg.scid  }
0x8b: {  	s0 =	sand.u32 $0x1, s1  }
0x8c: {  	s17 =	sshll.u32 s0, $0xA;
	s2 =	sadd.s32 s3, s2  }
0x8d: {  	s2 =	sadd.s32 s2, s17  }
0x8e: {  	[smem:$0x3FC4] =	sst s2  }
0x8f: {  	_ = 	snop  }
0x90: {  	s2 =	sld [smem:$0x3FC9]  }
0x91: {  	s18 =	sld [smem:$0x3FD0];
	(tm) =	ssettm $0x1  }
0x92: {  	s4 =	sld [smem:$0x3FFB];
	_ =	sdelay $0x3  }
0x93: {  	_ =	strace s4  }
0x94: {  	s4 =	sld [smem:$0x3FFC];
	_ =	sdelay $0x3  }
0x95: {  	_ =	strace s4  }
0x96: {  	s4 =	sld [smem:$0x3FFD];
	_ =	sdelay $0x3  }
0x97: {  	_ =	strace s4  }
0x98: {  	_ =	strace $0x8FFFFFFF  }
0x99: {  	s19 =	sld [smem:$0x3FDB];
	_ =	sdelay $0x1  }
0x9a: {  	s5 =	simm.s32 $_scs_section_size  }
0x9b: {  	s6 =	simm.s32 $_size__tile_overlayer_lowered;
	s7 =	simm.s32 $_tile_overlayer_lowered  }
0x9c: {  	s22 =	simm.s32 $0x1BFF;
	s21 =	sshll.u32 s7, $0x1;
	s4 =	sadd.s32 s5, s19  }
0x9d: {  	s8 =	simm.s32 $0x0;
	s20 =	sshll.u32 s6, $0x1;
	s6 =	sadd.s32 s21, s4  }
0x9e: {  	[timem:s8], [sflag:s22] =	dma.local [hbm:s6], s20  }
0x9f: {  	_ =	swait.ge [sflag:s22], s20  }
0xa0: {  	s5 =	ssub.s32 $0x0, s20;
	[sflag:s22] =	ssyncset.done $0x0  }
0xa1: {  	[sflag:s22] =	ssyncadd.s32 s5;
	_ =	sdelay $0x1  }
0xa2: {  	s23 =	simm.s32 $0x1B8B  }
0xa3: {  	_ =	swait.ge [sflag:s23], $0x1  }
0xa4: {  	[sflag:s23] =	ssyncset.done $0x0  }
0xa5: {  	s25 =	simm.s32 $0x1B8E;
	s24 =	sld [smem:$0x3FFE];
	[sflag:s23] =	ssyncadd.s32 $0xFFFFFFFF  }
0xa6: {  	s26 =	simm.s32 $execute0_lowered;
	[smem:$0x3FD2] =	sst s25  }
0xa7: {  	s6 =	sshll.u32 s26, $0x1;
	_ =	strace $0x80000046;
	[dreg:$0x1] =	wrdreg $0xFFFFFFFF  }
0xa8: {  	s28 =	simm.s32 $_size_execute0_lowered;
	s4 =	sadd.s32 s4, s6;
	[dreg:$0x0] =	wrdreg $0x0  }
0xa9: {  	s6 =	sshll.u32 s28, $0x1;
	[dreg:$0x2] =	wrdreg s4  }
0xaa: {  	[dreg:$0x3] =	wrdreg s6  }
0xab: {  	[dreg:$0x4] =	wrdreg $0xC0  }
0xac: {  	_ =	task [dreg:s8], $0x5FFFF  }
0xad: {  	[dreg:$0x1] =	wrdreg $0xFFFFFFFF  }
0xae: {  	[dreg:$0x0] =	wrdreg $0x60  }
0xaf: {  	[dreg:$0x2] =	wrdreg s24  }
0xb0: {  	[dreg:$0x3] =	wrdreg s2  }
0xb1: {  	[dreg:$0x4] =	wrdreg s18  }
0xb2: {  	[dreg:$0x5] =	wrdreg $0x9  }
0xb3: {  	_ =	task.clear_ibuf [dreg:s8], $0x6FFFF;
	_ =	strace $0x90000046  }
0xb4: {  	s29 =	simm.s32 $0x9;
	_ =	strace $0x80000048  }
0xb5: {  	_ =	swait.ge [sflag:s29], $0x1  }
0xb6: {  	[sflag:s29] =	ssyncadd.s32 $0xFFFFFFFF  }
0xb7: {  	_ =	strace $0x90000048  }
0xb8: {  	_ =	sfence  }
0xb9: {  	s30 =	sld [smem:$0x0];
	_ =	sdelay $0x2  }
0xba: {  	s31 =	sshll.u32 s1, $0xD;
	s1 =	sshrl.u32 s1, $0x2  }
0xbb: {  	s3 =	sand.u32 $0x4000, s31;
	s1 =	sadd.s32 s1, s30  }
0xbc: {  	s0 =	sor.u32 s3, s0;
	s1 =	sshll.u32 s1, $0x11  }
0xbd: {  	s0 =	sor.u32 s1, s0  }
0xbe: {  	s0 =	sadd.s32 $0x8F2B, s0  }
0xbf: {  	[sflag:s0] =	ssyncadd.remote.s32 $0x1  }
0xc0: {  	_ =	sfence.sel $0xFFFF  }
0xc1: {  	[dreg:$0x0] =	wrdreg $0xFFFFFFFF;
	(pc) =	sbr.abs _section_cstart, $3  }
0xc2: {  	[dreg:$0x1] =	wrdreg $0xFFFFFFFF  }
0xc3: {  	_ =	task.clear_ibuf [dreg:s8], $0x2FFFF;
	_ =	strace $0x9FFFFFFF  }
0xc4: {  	(tm) =	ssettm $0x7FFFFFFF  }
0xc5: {  	_ =	shalt  }
tec
execute0_lowered:
.L_overlay_start_1:
0x0: {  	(tag) =	ssettag $0x1  }
0x1: {  	s0 =	rddreg [dreg:$0x0]  }
0x2: {  	s1 =	rddreg [dreg:$0x1]  }
0x3: {  	s2 =	rddreg [dreg:$0x2]  }
0x4: {  	s3 =	simm.s32 $0x0;
	s4 =	srdreg.scid;
	s7 =	stileid.u32  }
0x5: {  	s28 =	simm.s32 $0xC80;
	s29 =	simm.s32 $0xD80;
	s30 =	simm.s32 $0xE80  }
0x6: {  	s31 =	simm.s32 $0xF80;
	s12 =	simm.s32 $0x1280;
	s14 =	simm.s32 $0x1380  }
0x7: {  	s9 =	simm.s32 $0x1580;
	s13 =	simm.s32 $0x2;
	s11 =	simm.s32 $0x0  }
0x8: {  	[smem:$0x7FF] =	sst s3;
	s4 =	sand.u32 $0x1, s4;
	s0 =	sadd.s32 $0xA00, s0  }
0x9: {  	s6 =	sshll.u32 s7, $0x1;
	s7 =	sshrl.u32 s7, $0x1;
	_ =	strace $0x80000047  }
0xa: {  	[dreg:$0x4] =	wrdreg s0;
	s17 =	ssub.s32 $0x2, s4;
	s8 =	sshll.u32 s7, $0xB  }
0xb: {  	s18 =	sand.u32 $0x2, s6;
	s6 =	sshll.u32 s7, $0xE;
	s19 =	sadd.s32 s1, s8  }
0xc: {  	s5 =	sshrl.u32 s17, $0x1;
	s20 =	sadd.s32 $0x80, s19;
	[dreg:$0x5] =	wrdreg s19  }
0xd: {  	s4 =	sor.u32 s4, s18;
	s21 =	sadd.s32 $0x100, s19;
	[dreg:$0x7] =	wrdreg s20  }
0xe: {  	s0 =	ssub.s32 s17, s5;
	s22 =	sadd.s32 $0x180, s19;
	[dreg:$0x8] =	wrdreg s21  }
0xf: {  	s8 =	sshll.u32 s4, $0x7;
	s23 =	sadd.s32 $0x200, s19;
	[dreg:$0x9] =	wrdreg s22  }
0x10: {  	s4 =	sshll.u32 s4, $0x11;
	s24 =	sadd.s32 $0x280, s19;
	[dreg:$0xa] =	wrdreg s23  }
0x11: {  	s25 =	sadd.s32 $0x300, s19;
	s26 =	sadd.s32 $0x380, s19;
	[dreg:$0xb] =	wrdreg s24  }
0x12: {  	s5 =	simm.s32 $0x1480;
	s17 =	simm.s32 $0x4;
	[dreg:$0xc] =	wrdreg s25  }
0x13: {  	s0 =	smax.u32 s0, $0x1;
	s10 =	sor.u32 s6, s4;
	[dreg:$0xd] =	wrdreg s26  }
0x14: {  	s4 =	simm.s32 $0x1180;
	[dreg:$0x6] =	wrdreg s0;
	s0 =	simm.s32 $0x1080  }
.LBB2_1:
0x15: {  	[dreg:$0xe] =	wrdreg s11  }
0x16: {  	s7 =	rddreg [dreg:$0x4];
	s15 =	simm.s32 $0x5  }
0x17: {  	[tilespmem:s3], [sflag:$0x5] =	stream.linear.gather [hbm4b:s7+s3], $0x600, $0x38;
	[tilespmem:$0x9600] =	vst v63  }
0x18: {  	_ =	swait.ge [sflag:s15], $0x600  }
0x19: {  	[sflag:s15] =	ssyncset.done $0x0  }
0x1a: {  	s16 =	simm.s32 $0x600;
	s11 =	rddreg [dreg:$0x5];
	[sflag:s15] =	ssyncadd.s32 $0xFFFFFA00  }
0x1b: {  	[tilespmem:s16], [sflag:$0x5] =	stream.linear.gather [hbm4b:s11+s3], $0x80, $0x38;
	[tilespmem:$0x9600] =	vst v63  }
0x1c: {  	s18 =	rddreg [dreg:$0x7];
	s16 =	simm.s32 $0x700  }
0x1d: {  	[tilespmem:s16], [sflag:$0x5] =	stream.linear.gather [hbm4b:s18+s3], $0x80, $0x38;
	[tilespmem:$0x9600] =	vst v63  }
0x1e: {  	s20 =	simm.s32 $0x800;
	s19 =	rddreg [dreg:$0x8]  }
0x1f: {  	[tilespmem:s20], [sflag:$0x5] =	stream.linear.gather [hbm4b:s19+s3], $0x80, $0x38;
	[tilespmem:$0x9600] =	vst v63  }
0x20: {  	s22 =	simm.s32 $0x900;
	s21 =	rddreg [dreg:$0x9]  }
0x21: {  	[tilespmem:s22], [sflag:$0x5] =	stream.linear.gather [hbm4b:s21+s3], $0x80, $0x38;
	[tilespmem:$0x9600] =	vst v63  }
0x22: {  	s24 =	simm.s32 $0xA00;
	s23 =	rddreg [dreg:$0xa]  }
0x23: {  	[tilespmem:s24], [sflag:$0x5] =	stream.linear.gather [hbm4b:s23+s3], $0x80, $0x38;
	[tilespmem:$0x9600] =	vst v63  }
0x24: {  	s26 =	simm.s32 $0xB00;
	s25 =	rddreg [dreg:$0xb]  }
0x25: {  	[tilespmem:s26], [sflag:$0x5] =	stream.linear.gather [hbm4b:s25+s3], $0x80, $0x38;
	[tilespmem:$0x9600] =	vst v63  }
0x26: {  	s16 =	rddreg [dreg:$0xc];
	s18 =	simm.s32 $0xC00  }
0x27: {  	[tilespmem:s18], [sflag:$0x5] =	stream.linear.gather [hbm4b:s16+s3], $0x80, $0x38;
	[tilespmem:$0x9600] =	vst v63  }
0x28: {  	s19 =	rddreg [dreg:$0xd];
	s20 =	simm.s32 $0xD00  }
0x29: {  	[tilespmem:s20], [sflag:$0x5] =	stream.linear.gather [hbm4b:s19+s3], $0x80, $0x38;
	[tilespmem:$0x9600] =	vst v63  }
0x2a: {  	s21 =	sadd.s32 $0x400, s11;
	s22 =	simm.s32 $0xE00  }
0x2b: {  	[tilespmem:s22], [sflag:$0x5] =	stream.linear.gather [hbm4b:s21+s3], $0x80, $0x38;
	[tilespmem:$0x9600] =	vst v63  }
0x2c: {  	s23 =	sadd.s32 $0x480, s11;
	s24 =	simm.s32 $0xF00  }
0x2d: {  	[tilespmem:s24], [sflag:$0x5] =	stream.linear.gather [hbm4b:s23+s3], $0x80, $0x38;
	[tilespmem:$0x9600] =	vst v63  }
0x2e: {  	s25 =	sadd.s32 $0x500, s11;
	s26 =	simm.s32 $0x1000  }
0x2f: {  	[tilespmem:s26], [sflag:$0x5] =	stream.linear.gather [hbm4b:s25+s3], $0x80, $0x38;
	[tilespmem:$0x9600] =	vst v63  }
0x30: {  	s16 =	sadd.s32 $0x580, s11;
	s18 =	simm.s32 $0x1100  }
0x31: {  	[tilespmem:s18], [sflag:$0x5] =	stream.linear.gather [hbm4b:s16+s3], $0x80, $0x38;
	[tilespmem:$0x9600] =	vst v63  }
0x32: {  	s19 =	sadd.s32 $0x600, s11;
	s20 =	simm.s32 $0x1200  }
0x33: {  	[tilespmem:s20], [sflag:$0x5] =	stream.linear.gather [hbm4b:s19+s3], $0x80, $0x38;
	[tilespmem:$0x9600] =	vst v63  }
0x34: {  	s21 =	sadd.s32 $0x680, s11;
	s22 =	simm.s32 $0x1300  }
0x35: {  	[tilespmem:s22], [sflag:$0x5] =	stream.linear.gather [hbm4b:s21+s3], $0x80, $0x38;
	[tilespmem:$0x9600] =	vst v63  }
0x36: {  	s23 =	sadd.s32 $0x700, s11;
	s24 =	simm.s32 $0x1400  }
0x37: {  	[tilespmem:s24], [sflag:$0x5] =	stream.linear.gather [hbm4b:s23+s3], $0x80, $0x38;
	[tilespmem:$0x9600] =	vst v63  }
0x38: {  	s25 =	sadd.s32 $0x780, s11;
	s26 =	simm.s32 $0x1500  }
0x39: {  	[tilespmem:s26], [sflag:$0x5] =	stream.linear.gather [hbm4b:s25+s3], $0x80, $0x38;
	[tilespmem:$0x9600] =	vst v63  }
0x3a: {  	_ =	swait.ge [sflag:s15], $0x800  }
0x3b: {  	[sflag:s15] =	ssyncset.done $0x0  }
0x3c: {  	s21 =	simm.s32 $0x0;
	[sflag:s15] =	ssyncadd.s32 $0xFFFFF800  }
.LBB2_2:
0x3d: {  	s23 =	sshllo.u32 s21, $0x1  }
0x3e: {  	s11 =	sshll.u32 s21, $0xF;
	s7 =	sshll.u32 s23, $0x7  }
0x3f: {  	s11 =	sand.u32 $0x3E0000, s11;
	s7 =	sand.u32 $0x380, s7  }
0x40: {  	s7 =	sor.u32 s7, s11  }
0x41: {  	s7 =	sor.u32 s6, s7  }
0x42: {  	s7 =	sshrl.u32 s7, $0x3  }
0x43: {  	s19 =	simm.s32 $0x680;
	s7 =	sadd.s32 s1, s7  }
0x44: {  	[tilespmem:s19], [sflag:$0x2] =	stream.linear.gather [hbm4b:s7+s3], $0x80, $0x38;
	[tilespmem:$0x9600] =	vst v63  }
0x45: {  	s15 =	simm.s32 $0x780;
	s20 =	sadd.s32 $0x80, s7  }
0x46: {  	[tilespmem:s15], [sflag:$0x2] =	stream.linear.gather [hbm4b:s20+s3], $0x80, $0x38;
	[tilespmem:$0x9600] =	vst v63  }
0x47: {  	s24 =	simm.s32 $0x880;
	s22 =	sadd.s32 $0x100, s7  }
0x48: {  	[tilespmem:s24], [sflag:$0x2] =	stream.linear.gather [hbm4b:s22+s3], $0x80, $0x38;
	[tilespmem:$0x9600] =	vst v63  }
0x49: {  	s26 =	simm.s32 $0x980;
	s25 =	sadd.s32 $0x180, s7  }
0x4a: {  	[tilespmem:s26], [sflag:$0x2] =	stream.linear.gather [hbm4b:s25+s3], $0x80, $0x38;
	[tilespmem:$0x9600] =	vst v63  }
0x4b: {  	s18 =	simm.s32 $0xA80;
	s16 =	sadd.s32 $0x200, s7  }
0x4c: {  	[tilespmem:s18], [sflag:$0x2] =	stream.linear.gather [hbm4b:s16+s3], $0x80, $0x38;
	[tilespmem:$0x9600] =	vst v63  }
0x4d: {  	s19 =	sadd.s32 $0x280, s7;
	s20 =	simm.s32 $0xB80  }
0x4e: {  	[tilespmem:s20], [sflag:$0x2] =	stream.linear.gather [hbm4b:s19+s3], $0x80, $0x38;
	[tilespmem:$0x9600] =	vst v63  }
0x4f: {  	s22 =	sadd.s32 $0x300, s7  }
0x50: {  	[tilespmem:s28], [sflag:$0x2] =	stream.linear.gather [hbm4b:s22+s3], $0x80, $0x38;
	[tilespmem:$0x9600] =	vst v63  }
0x51: {  	s24 =	sadd.s32 $0x380, s7  }
0x52: {  	[tilespmem:s29], [sflag:$0x2] =	stream.linear.gather [hbm4b:s24+s3], $0x80, $0x38;
	[tilespmem:$0x9600] =	vst v63  }
0x53: {  	s25 =	sadd.s32 $0x400, s7  }
0x54: {  	[tilespmem:s30], [sflag:$0x2] =	stream.linear.gather [hbm4b:s25+s3], $0x80, $0x38;
	[tilespmem:$0x9600] =	vst v63  }
0x55: {  	s26 =	sadd.s32 $0x480, s7  }
0x56: {  	[tilespmem:s31], [sflag:$0x2] =	stream.linear.gather [hbm4b:s26+s3], $0x80, $0x38;
	[tilespmem:$0x9600] =	vst v63  }
0x57: {  	s15 =	sadd.s32 $0x500, s7  }
0x58: {  	[tilespmem:s0], [sflag:$0x2] =	stream.linear.gather [hbm4b:s15+s3], $0x80, $0x38;
	[tilespmem:$0x9600] =	vst v63  }
0x59: {  	s16 =	sadd.s32 $0x580, s7  }
0x5a: {  	[tilespmem:s4], [sflag:$0x2] =	stream.linear.gather [hbm4b:s16+s3], $0x80, $0x38;
	[tilespmem:$0x9600] =	vst v63  }
0x5b: {  	s18 =	sadd.s32 $0x600, s7  }
0x5c: {  	[tilespmem:s12], [sflag:$0x2] =	stream.linear.gather [hbm4b:s18+s3], $0x80, $0x38;
	[tilespmem:$0x9600] =	vst v63  }
0x5d: {  	s19 =	sadd.s32 $0x680, s7  }
0x5e: {  	[tilespmem:s14], [sflag:$0x2] =	stream.linear.gather [hbm4b:s19+s3], $0x80, $0x38;
	[tilespmem:$0x9600] =	vst v63  }
0x5f: {  	s20 =	sadd.s32 $0x700, s7  }
0x60: {  	[tilespmem:s5], [sflag:$0x2] =	stream.linear.gather [hbm4b:s20+s3], $0x80, $0x38;
	[tilespmem:$0x9600] =	vst v63  }
0x61: {  	p0 =	seq.s32 s21, $0x0;
	s7 =	sadd.s32 $0x780, s7  }
0x62: {  	[tilespmem:s9], [sflag:$0x2] =	stream.linear.gather [hbm4b:s7+s3], $0x80, $0x38;
	[tilespmem:$0x9600] =	vst v63  }
0x63: {  	s7 =	simm.s32 @!p0 $0x3  }
0x64: {  	_ =	swait.ge @!p0 [sflag:s7], $0x4000  }
0x65: {  	[sflag:s7] =	ssyncset.done @!p0 $0x0  }
0x66: {  	[sflag:s7] =	ssyncadd.s32 @!p0 $0xFFFFC000;
	s7 =	simm.s32 @!p0 $0x1  }
0x67: {  	_ =	swait.ge @!p0 [sflag:s7], $0x800  }
0x68: {  	[sflag:s7] =	ssyncset.done @!p0 $0x0  }
0x69: {  	[sflag:s7] =	ssyncadd.s32 @!p0 $0xFFFFF800  }
0x6a: {  	v0 =	vld [tilespmem:s8+$0x200]  }
0x6b: {  	v1 =	vld [tilespmem:s8+$0x400]  }
0x6c: {  	v2 =	vld [tilespmem:s8+$0x210]  }
0x6d: {  	v3 =	vld [tilespmem:s8+$0x410]  }
0x6e: {  	v4 =	vld [tilespmem:s8+$0x220]  }
0x6f: {  	v5 =	vld [tilespmem:s8+$0x420]  }
0x70: {  	v6 =	vld [tilespmem:s8+$0x230]  }
0x71: {  	v7 =	vld [tilespmem:s8+$0x430]  }
0x72: {  	v9 =	vld [tilespmem:s8+$0x240]  }
0x73: {  	v10 =	vld [tilespmem:s8+$0x440]  }
0x74: {  	v11 =	vld [tilespmem:s8+$0x250]  }
0x75: {  	s15 =	simm.s32 $0x0;
	v13 =	vld [tilespmem:s8+$0x450]  }
0x76: {  	s22 =	sand.u32 $0xF00, s15;
	s16 =	sand.u32 $0x60, s15;
	v16 =	vld [tilespmem:s8+$0x270]  }
0x77: {  	s24 =	sor.u32 $0x10, s16;
	s7 =	sadd.s32 $0x600, s22;
	v18 =	vld [tilespmem:s8+$0x470]  }
0x78: {  	s18 =	sor.u32 s24, s7;
	v8 =	vld [tilespmem:s8+$0x70]  }
0x79: {  	s7 =	sor.u32 s16, s7;
	v14 =	vld [tilespmem:s18+$0x0]  }
0x7a: {  	v34 =	vld [tilespmem:s7+$0x0]  }
0x7b: {  	v21 =	vld [tilespmem:s8+$0x260]  }
0x7c: {  	v23 =	vld [tilespmem:s8+$0x460]  }
0x7d: {  	v22 =	vld [tilespmem:s8+$0x0]  }
0x7e: {  	v12 =	vld [tilespmem:s8+$0x10];
	vm2 =	veq.s32 v14, $0x1  }
0x7f: {  	v17 =	vld [tilespmem:s8+$0x40];
	vm1 =	veq.s32 v34, $0x1;
	vm0 =	veq.s32 v14, $0x0;
	v15 =	vsel vm2, v16, v18  }
0x80: {  	v19 =	vld [tilespmem:s8+$0x50];
	v31 =	vsel vm1, v0, v1;
	v32 =	vsel vm1, v2, v3;
	v37 =	vsel vm1, v4, v5  }
0x81: {  	s25 =	sand.u32 $0x1E000, s15;
	v14 =	vld [tilespmem:s8+$0x20];
	v29 =	vsel vm1, v6, v7;
	v28 =	vsel vm1, v9, v10;
	v35 =	vsel vm1, v11, v13  }
0x82: {  	s7 =	sshrl.u32 s25, $0x2;
	v26 =	vsel vm1, v21, v23;
	v25 =	vsel vm1, v16, v18;
	v38 =	vsel vm0, v8, v15;
	v15 =	vld [tilespmem:s8+$0x30]  }
0x83: {  	v20 =	vld [tilespmem:s8+$0x60];
	s26 =	sadd.s32 $0x1600, s7;
	v39 =	vsel vm2, v0, v1;
	v33 =	vsel vm2, v2, v3;
	v27 =	vsel vm2, v4, v5  }
0x84: {  	s25 =	sshll.u32 s21, $0x1;
	s18 =	simm.s32 $0x20;
	s11 =	sor.u32 s24, s26;
	v36 =	vsel vm2, v6, v7;
	v30 =	vsel vm2, v9, v10;
	v24 =	vsel vm2, v11, v13  }
0x85: {  	s7 =	simm.s32 $0x0;
	s19 =	sor.u32 s16, s26;
	s16 =	simm.s32 $0x40;
	vm1 =	veq.s32 v34, $0x0;
	v34 =	vsel vm2, v21, v23;
	[tilespmem:s11+$0x700] =	vst v38;
	v38 =	vsel vm0, v22, v39  }
.LBB2_3:
0x86: {  	s20 =	sand.u32 $0x60, s18;
	s22 =	sand.u32 $0xF00, s16;
	s7 =	sadd.s32 $0x2, s7;
	v31 =	vsel vm1, v22, v31;
	v32 =	vsel vm1, v12, v32;
	v37 =	vsel vm1, v14, v37;
	[tilespmem:s11+$0x0] =	vst v38  }
0x87: {  	v29 =	vsel vm1, v15, v29;
	v28 =	vsel vm1, v17, v28;
	s22 =	sadd.s32 $0x600, s22;
	s24 =	sor.u32 $0x10, s20;
	p0 =	slt.u32 s7, $0x7E;
	[tilespmem:s19+$0x0] =	vst v31;
	v31 =	vsel vm1, v19, v35  }
0x88: {  	v26 =	vsel vm1, v20, v26;
	v25 =	vsel vm1, v8, v25;
	s26 =	sor.u32 s20, s22;
	s22 =	sor.u32 s24, s22;
	[tilespmem:s19+$0x100] =	vst v32;
	v32 =	vsel vm0, v12, v33  }
0x89: {  	v27 =	vsel vm0, v14, v27;
	v36 =	vsel vm0, v15, v36;
	v30 =	vsel vm0, v17, v30;
	v33 =	vld [tilespmem:s22+$0x0];
	[tilespmem:s19+$0x200] =	vst v37  }
0x8a: {  	v39 =	vsel vm0, v19, v24;
	v40 =	vsel vm0, v20, v34;
	v38 =	vld [tilespmem:s26+$0x0];
	[tilespmem:s19+$0x300] =	vst v29  }
0x8b: {  	[tilespmem:s19+$0x400] =	vst v28  }
0x8c: {  	s15 =	sadd.s32 $0x800, s15;
	[tilespmem:s19+$0x500] =	vst v31  }
0x8d: {  	s22 =	sand.u32 $0x1E000, s15;
	[tilespmem:s19+$0x600] =	vst v26  }
0x8e: {  	s22 =	sshrl.u32 s22, $0x2;
	vm2 =	veq.s32 v33, $0x1;
	[tilespmem:s19+$0x700] =	vst v25  }
0x8f: {  	s22 =	sadd.s32 $0x1600, s22;
	vm0 =	veq.s32 v33, $0x0;
	vm1 =	veq.s32 v38, $0x1;
	v24 =	vsel vm2, v16, v18;
	[tilespmem:s11+$0x100] =	vst v32  }
0x90: {  	s19 =	sor.u32 s20, s22;
	s20 =	sor.u32 s24, s22;
	v31 =	vsel vm1, v0, v1;
	v32 =	vsel vm1, v2, v3;
	v24 =	vsel vm0, v8, v24;
	[tilespmem:s11+$0x200] =	vst v27  }
.Ltmp0:
0x91: {  	v37 =	vsel vm1, v4, v5;
	v29 =	vsel vm1, v6, v7;
	v28 =	vsel vm1, v9, v10;
	[tilespmem:s20+$0x700] =	vst v24;
	(pc) =	sbr.rel @p0 .LBB2_3-.Ltmp0, $4  }
0x92: {  	v35 =	vsel vm1, v11, v13;
	v26 =	vsel vm1, v21, v23;
	v25 =	vsel vm1, v16, v18;
	[tilespmem:s11+$0x300] =	vst v36  }
0x93: {  	v34 =	vsel vm2, v0, v1;
	v33 =	vsel vm2, v2, v3;
	v27 =	vsel vm2, v4, v5;
	[tilespmem:s11+$0x400] =	vst v30  }
0x94: {  	v24 =	vsel vm2, v11, v13;
	v36 =	vsel vm2, v6, v7;
	v30 =	vsel vm2, v9, v10;
	[tilespmem:s11+$0x500] =	vst v39  }
0x95: {  	s16 =	sadd.s32 $0x40, s16;
	s18 =	sadd.s32 $0x20, s18;
	vm1 =	veq.s32 v38, $0x0;
	v38 =	vsel vm0, v22, v34;
	v34 =	vsel vm2, v21, v23;
	[tilespmem:s11+$0x600] =	vst v40;
	s11 =	smov.u32 s20  }
0x96: {  	v0 =	vsel vm1, v22, v31;
	[tilespmem:s11+$0x0] =	vst v38  }
0x97: {  	v1 =	vsel vm1, v12, v32;
	[tilespmem:s19+$0x0] =	vst v0  }
0x98: {  	v52 =	vsel vm1, v14, v37;
	[tilespmem:s19+$0x100] =	vst v1  }
0x99: {  	v53 =	vsel vm1, v15, v29;
	[tilespmem:s19+$0x200] =	vst v52  }
0x9a: {  	v54 =	vsel vm1, v17, v28;
	[tilespmem:s19+$0x300] =	vst v53  }
0x9b: {  	v55 =	vsel vm1, v19, v35;
	[tilespmem:s19+$0x400] =	vst v54  }
0x9c: {  	v56 =	vsel vm1, v20, v26;
	[tilespmem:s19+$0x500] =	vst v55  }
0x9d: {  	v57 =	vsel vm1, v8, v25;
	[tilespmem:s19+$0x600] =	vst v56  }
0x9e: {  	v58 =	vsel vm0, v12, v33;
	[tilespmem:s19+$0x700] =	vst v57  }
0x9f: {  	v59 =	vsel vm0, v14, v27;
	[tilespmem:s11+$0x100] =	vst v58  }
0xa0: {  	v60 =	vsel vm0, v15, v36;
	s7 =	sshll.u32 s21, $0x14;
	[tilespmem:s11+$0x200] =	vst v59  }
0xa1: {  	v61 =	vsel vm0, v17, v30;
	[tilespmem:s11+$0x300] =	vst v60;
	s7 =	sor.u32 s10, s7  }
0xa2: {  	v62 =	vsel vm0, v19, v24;
	[tilespmem:s11+$0x400] =	vst v61;
	s7 =	sshrl.u32 s7, $0x3  }
0xa3: {  	v63 =	vsel vm0, v20, v34;
	s15 =	simm.s32 $0x1600;
	[tilespmem:s11+$0x500] =	vst v62;
	s7 =	sadd.s32 s2, s7  }
0xa4: {  	s16 =	simm.s32 $0x1700;
	[tilespmem:s11+$0x600] =	vst v63;
	s11 =	simm.s32 $0x10;
	s18 =	sadd.s32 $0x0, s7  }
.LBB2_5:
0xa5: {  	[hbm4b:s18+s3] =	stream.linear.scatter [tilespmem:s15], [sflag:$0x3], $0x80, $0x38;
	[tilespmem:$0x9600] =	vst v63  }
0xa6: {  	s18 =	smov.u32 s11;
	s15 =	smov.u32 s16;
	p0 =	sne.s32 s11, $0x7F0  }
.Ltmp1:
0xa7: {  	s11 =	sadd.s32 $0x10, s11;
	(pc) =	sbr.rel @p0 .LBB2_5-.Ltmp1, $2  }
0xa8: {  	_ =	sdelay $0x2  }
0xa9: {  	s16 =	sadd.s32 $0x100, s16;
	s18 =	sadd.s32 s18, s7  }
0xaa: {  	[hbm4b:s18+s3] =	stream.linear.scatter [tilespmem:s15], [sflag:$0x3], $0x80, $0x38;
	[tilespmem:$0x9600] =	vst v63  }
0xab: {  	p0 =	seq.s32 s21, $0x63  }
0xac: {  	s7 =	sadd.s32 @!p0 $0x2, s25  }
0xad: {  	s11 =	sshll.u32 @!p0 s7, $0x7;
	s7 =	sshll.u32 @!p0 s7, $0xE  }
0xae: {  	s11 =	sand.u32 @!p0 $0x300, s11;
	s7 =	sand.u32 @!p0 $0x7E0000, s7  }
0xaf: {  	s7 =	sor.u32 @!p0 s7, s11  }
0xb0: {  	s7 =	sor.u32 @!p0 s6, s7  }
0xb1: {  	s7 =	sshrl.u32 @!p0 s7, $0x3  }
0xb2: {  	s15 =	simm.s32 @!p0 $0x600;
	s11 =	simm.s32 @!p0 $0x0;
	s7 =	sadd.s32 @!p0 s1, s7  }
0xb3: {  	[tilespmem:s15], [sflag:$0x1] =	stream.linear.gather @!p0 [hbm4b:s7+s11], $0x80, $0x38;
	[tilespmem:$0x9600] =	vst v63  }
0xb4: {  	s16 =	simm.s32 @!p0 $0x700;
	s15 =	sadd.s32 @!p0 $0x80, s7  }
0xb5: {  	[tilespmem:s16], [sflag:$0x1] =	stream.linear.gather @!p0 [hbm4b:s15+s11], $0x80, $0x38;
	[tilespmem:$0x9600] =	vst v63  }
0xb6: {  	s15 =	sadd.s32 @!p0 $0x100, s7;
	s16 =	simm.s32 @!p0 $0x800  }
0xb7: {  	[tilespmem:s16], [sflag:$0x1] =	stream.linear.gather @!p0 [hbm4b:s15+s11], $0x80, $0x38;
	[tilespmem:$0x9600] =	vst v63  }
0xb8: {  	s15 =	sadd.s32 @!p0 $0x180, s7;
	s16 =	simm.s32 @!p0 $0x900  }
0xb9: {  	[tilespmem:s16], [sflag:$0x1] =	stream.linear.gather @!p0 [hbm4b:s15+s11], $0x80, $0x38;
	[tilespmem:$0x9600] =	vst v63  }
0xba: {  	s15 =	sadd.s32 @!p0 $0x200, s7;
	s16 =	simm.s32 @!p0 $0xA00  }
0xbb: {  	[tilespmem:s16], [sflag:$0x1] =	stream.linear.gather @!p0 [hbm4b:s15+s11], $0x80, $0x38;
	[tilespmem:$0x9600] =	vst v63  }
0xbc: {  	s15 =	sadd.s32 @!p0 $0x280, s7;
	s16 =	simm.s32 @!p0 $0xB00  }
0xbd: {  	[tilespmem:s16], [sflag:$0x1] =	stream.linear.gather @!p0 [hbm4b:s15+s11], $0x80, $0x38;
	[tilespmem:$0x9600] =	vst v63  }
0xbe: {  	s15 =	sadd.s32 @!p0 $0x300, s7;
	s16 =	simm.s32 @!p0 $0xC00  }
0xbf: {  	[tilespmem:s16], [sflag:$0x1] =	stream.linear.gather @!p0 [hbm4b:s15+s11], $0x80, $0x38;
	[tilespmem:$0x9600] =	vst v63  }
0xc0: {  	s15 =	sadd.s32 @!p0 $0x380, s7;
	s16 =	simm.s32 @!p0 $0xD00  }
0xc1: {  	[tilespmem:s16], [sflag:$0x1] =	stream.linear.gather @!p0 [hbm4b:s15+s11], $0x80, $0x38;
	[tilespmem:$0x9600] =	vst v63  }
0xc2: {  	s15 =	sadd.s32 @!p0 $0x400, s7;
	s16 =	simm.s32 @!p0 $0xE00  }
0xc3: {  	[tilespmem:s16], [sflag:$0x1] =	stream.linear.gather @!p0 [hbm4b:s15+s11], $0x80, $0x38;
	[tilespmem:$0x9600] =	vst v63  }
0xc4: {  	s15 =	sadd.s32 @!p0 $0x480, s7;
	s16 =	simm.s32 @!p0 $0xF00  }
0xc5: {  	[tilespmem:s16], [sflag:$0x1] =	stream.linear.gather @!p0 [hbm4b:s15+s11], $0x80, $0x38;
	[tilespmem:$0x9600] =	vst v63  }
0xc6: {  	s15 =	sadd.s32 @!p0 $0x500, s7;
	s16 =	simm.s32 @!p0 $0x1000  }
0xc7: {  	[tilespmem:s16], [sflag:$0x1] =	stream.linear.gather @!p0 [hbm4b:s15+s11], $0x80, $0x38;
	[tilespmem:$0x9600] =	vst v63  }
0xc8: {  	s15 =	sadd.s32 @!p0 $0x580, s7;
	s16 =	simm.s32 @!p0 $0x1100  }
0xc9: {  	[tilespmem:s16], [sflag:$0x1] =	stream.linear.gather @!p0 [hbm4b:s15+s11], $0x80, $0x38;
	[tilespmem:$0x9600] =	vst v63  }
0xca: {  	s15 =	sadd.s32 @!p0 $0x600, s7;
	s16 =	simm.s32 @!p0 $0x1200  }
0xcb: {  	[tilespmem:s16], [sflag:$0x1] =	stream.linear.gather @!p0 [hbm4b:s15+s11], $0x80, $0x38;
	[tilespmem:$0x9600] =	vst v63  }
0xcc: {  	s15 =	sadd.s32 @!p0 $0x680, s7;
	s16 =	simm.s32 @!p0 $0x1300  }
0xcd: {  	[tilespmem:s16], [sflag:$0x1] =	stream.linear.gather @!p0 [hbm4b:s15+s11], $0x80, $0x38;
	[tilespmem:$0x9600] =	vst v63  }
0xce: {  	s15 =	sadd.s32 @!p0 $0x700, s7;
	s16 =	simm.s32 @!p0 $0x1400  }
0xcf: {  	[tilespmem:s16], [sflag:$0x1] =	stream.linear.gather @!p0 [hbm4b:s15+s11], $0x80, $0x38;
	[tilespmem:$0x9600] =	vst v63  }
0xd0: {  	p1 =	seq.s32 @!p0 s21, $0x0;
	s7 =	sadd.s32 @!p0 $0x780, s7;
	s15 =	simm.s32 @!p0 $0x1500  }
0xd1: {  	[tilespmem:s15], [sflag:$0x1] =	stream.linear.gather @!p0 [hbm4b:s7+s11], $0x80, $0x38;
	[tilespmem:$0x9600] =	vst v63  }
0xd2: {  	p0 =	por p0, !p1  }
0xd3: {  	_ =	swait.ge @p0 [sflag:s17], $0x4000  }
0xd4: {  	[sflag:s17] =	ssyncset.done @p0 $0x0  }
0xd5: {  	[sflag:s17] =	ssyncadd.s32 @p0 $0xFFFFC000  }
0xd6: {  	_ =	swait.ge [sflag:s13], $0x800  }
0xd7: {  	[sflag:s13] =	ssyncset.done $0x0  }
0xd8: {  	[sflag:s13] =	ssyncadd.s32 $0xFFFFF800  }
0xd9: {  	v0 =	vld [tilespmem:s8+$0x200]  }
0xda: {  	v1 =	vld [tilespmem:s8+$0x400]  }
0xdb: {  	v2 =	vld [tilespmem:s8+$0x210]  }
0xdc: {  	v3 =	vld [tilespmem:s8+$0x410]  }
0xdd: {  	v4 =	vld [tilespmem:s8+$0x220]  }
0xde: {  	v5 =	vld [tilespmem:s8+$0x420]  }
0xdf: {  	v6 =	vld [tilespmem:s8+$0x230]  }
0xe0: {  	v7 =	vld [tilespmem:s8+$0x430]  }
0xe1: {  	v9 =	vld [tilespmem:s8+$0x240]  }
0xe2: {  	v10 =	vld [tilespmem:s8+$0x440]  }
0xe3: {  	s15 =	simm.s32 $0x0;
	v11 =	vld [tilespmem:s8+$0x250]  }
0xe4: {  	s19 =	sand.u32 $0x60, s15;
	s20 =	sand.u32 $0xF00, s15;
	v13 =	vld [tilespmem:s8+$0x450]  }
0xe5: {  	s7 =	sadd.s32 $0x680, s20;
	s22 =	sor.u32 $0x10, s19;
	v16 =	vld [tilespmem:s8+$0x270]  }
0xe6: {  	s24 =	sor.u32 s22, s7;
	v18 =	vld [tilespmem:s8+$0x470]  }
0xe7: {  	s7 =	sor.u32 s19, s7;
	v14 =	vld [tilespmem:s24+$0x0]  }
0xe8: {  	v31 =	vld [tilespmem:s7+$0x0]  }
0xe9: {  	v8 =	vld [tilespmem:s8+$0x70]  }
0xea: {  	v21 =	vld [tilespmem:s8+$0x260]  }
0xeb: {  	v23 =	vld [tilespmem:s8+$0x460]  }
0xec: {  	v22 =	vld [tilespmem:s8+$0x0]  }
0xed: {  	v12 =	vld [tilespmem:s8+$0x10];
	vm2 =	veq.s32 v14, $0x1  }
0xee: {  	v17 =	vld [tilespmem:s8+$0x40];
	vm1 =	veq.s32 v31, $0x1;
	vm0 =	veq.s32 v14, $0x0;
	v15 =	vsel vm2, v16, v18  }
0xef: {  	v19 =	vld [tilespmem:s8+$0x50];
	v32 =	vsel vm1, v0, v1;
	v33 =	vsel vm1, v2, v3;
	v37 =	vsel vm1, v4, v5  }
0xf0: {  	s25 =	sand.u32 $0x1E000, s15;
	v14 =	vld [tilespmem:s8+$0x20];
	v30 =	vsel vm1, v6, v7;
	v28 =	vsel vm1, v9, v10;
	v36 =	vsel vm1, v11, v13  }
0xf1: {  	s7 =	sshrl.u32 s25, $0x2;
	v26 =	vsel vm1, v21, v23;
	v25 =	vsel vm1, v16, v18;
	v38 =	vsel vm0, v8, v15;
	v15 =	vld [tilespmem:s8+$0x30]  }
0xf2: {  	v20 =	vld [tilespmem:s8+$0x60];
	s26 =	sadd.s32 $0x1680, s7;
	v39 =	vsel vm2, v0, v1;
	v34 =	vsel vm2, v2, v3;
	v27 =	vsel vm2, v4, v5  }
0xf3: {  	s18 =	simm.s32 $0x20;
	s11 =	sor.u32 s22, s26;
	v35 =	vsel vm2, v6, v7;
	v29 =	vsel vm2, v9, v10;
	v24 =	vsel vm2, v11, v13  }
0xf4: {  	s16 =	simm.s32 $0x40;
	s7 =	simm.s32 $0x0;
	s19 =	sor.u32 s19, s26;
	vm1 =	veq.s32 v31, $0x0;
	v31 =	vsel vm2, v21, v23;
	[tilespmem:s11+$0x700] =	vst v38;
	v38 =	vsel vm0, v22, v39  }
.LBB2_7:
0xf5: {  	s20 =	sand.u32 $0x60, s18;
	s22 =	sand.u32 $0xF00, s16;
	s7 =	sadd.s32 $0x2, s7;
	v32 =	vsel vm1, v22, v32;
	v33 =	vsel vm1, v12, v33;
	v37 =	vsel vm1, v14, v37;
	[tilespmem:s11+$0x0] =	vst v38  }
0xf6: {  	v30 =	vsel vm1, v15, v30;
	v28 =	vsel vm1, v17, v28;
	s22 =	sadd.s32 $0x680, s22;
	s24 =	sor.u32 $0x10, s20;
	p0 =	slt.u32 s7, $0x7E;
	[tilespmem:s19+$0x0] =	vst v32;
	v32 =	vsel vm1, v19, v36  }
0xf7: {  	v26 =	vsel vm1, v20, v26;
	v25 =	vsel vm1, v8, v25;
	s25 =	sor.u32 s20, s22;
	s22 =	sor.u32 s24, s22;
	[tilespmem:s19+$0x100] =	vst v33;
	v33 =	vsel vm0, v12, v34  }
0xf8: {  	v27 =	vsel vm0, v14, v27;
	v35 =	vsel vm0, v15, v35;
	v29 =	vsel vm0, v17, v29;
	v34 =	vld [tilespmem:s22+$0x0];
	[tilespmem:s19+$0x200] =	vst v37  }
0xf9: {  	v39 =	vsel vm0, v19, v24;
	v40 =	vsel vm0, v20, v31;
	v38 =	vld [tilespmem:s25+$0x0];
	[tilespmem:s19+$0x300] =	vst v30  }
0xfa: {  	[tilespmem:s19+$0x400] =	vst v28  }
0xfb: {  	s15 =	sadd.s32 $0x800, s15;
	[tilespmem:s19+$0x500] =	vst v32  }
0xfc: {  	s22 =	sand.u32 $0x1E000, s15;
	[tilespmem:s19+$0x600] =	vst v26  }
0xfd: {  	s22 =	sshrl.u32 s22, $0x2;
	vm2 =	veq.s32 v34, $0x1;
	[tilespmem:s19+$0x700] =	vst v25  }
0xfe: {  	s22 =	sadd.s32 $0x1680, s22;
	vm0 =	veq.s32 v34, $0x0;
	vm1 =	veq.s32 v38, $0x1;
	v24 =	vsel vm2, v16, v18;
	[tilespmem:s11+$0x100] =	vst v33  }
0xff: {  	s19 =	sor.u32 s20, s22;
	s20 =	sor.u32 s24, s22;
	v32 =	vsel vm1, v0, v1;
	v33 =	vsel vm1, v2, v3;
	v24 =	vsel vm0, v8, v24;
	[tilespmem:s11+$0x200] =	vst v27  }
.Ltmp2:
0x100: {  	v37 =	vsel vm1, v4, v5;
	v30 =	vsel vm1, v6, v7;
	v28 =	vsel vm1, v9, v10;
	[tilespmem:s20+$0x700] =	vst v24;
	(pc) =	sbr.rel @p0 .LBB2_7-.Ltmp2, $4  }
0x101: {  	v36 =	vsel vm1, v11, v13;
	v26 =	vsel vm1, v21, v23;
	v25 =	vsel vm1, v16, v18;
	[tilespmem:s11+$0x300] =	vst v35  }
0x102: {  	v31 =	vsel vm2, v0, v1;
	v34 =	vsel vm2, v2, v3;
	v27 =	vsel vm2, v4, v5;
	[tilespmem:s11+$0x400] =	vst v29  }
0x103: {  	v24 =	vsel vm2, v11, v13;
	v35 =	vsel vm2, v6, v7;
	v29 =	vsel vm2, v9, v10;
	[tilespmem:s11+$0x500] =	vst v39  }
0x104: {  	s16 =	sadd.s32 $0x40, s16;
	s18 =	sadd.s32 $0x20, s18;
	vm1 =	veq.s32 v38, $0x0;
	v38 =	vsel vm0, v22, v31;
	v31 =	vsel vm2, v21, v23;
	[tilespmem:s11+$0x600] =	vst v40;
	s11 =	smov.u32 s20  }
0x105: {  	v0 =	vsel vm1, v22, v32;
	[tilespmem:s11+$0x0] =	vst v38  }
0x106: {  	v1 =	vsel vm1, v12, v33;
	[tilespmem:s19+$0x0] =	vst v0  }
0x107: {  	v52 =	vsel vm1, v14, v37;
	[tilespmem:s19+$0x100] =	vst v1  }
0x108: {  	v53 =	vsel vm1, v15, v30;
	[tilespmem:s19+$0x200] =	vst v52  }
0x109: {  	v54 =	vsel vm1, v17, v28;
	[tilespmem:s19+$0x300] =	vst v53  }
0x10a: {  	v55 =	vsel vm1, v19, v36;
	[tilespmem:s19+$0x400] =	vst v54  }
0x10b: {  	v56 =	vsel vm1, v20, v26;
	[tilespmem:s19+$0x500] =	vst v55  }
0x10c: {  	v57 =	vsel vm1, v8, v25;
	[tilespmem:s19+$0x600] =	vst v56  }
0x10d: {  	v58 =	vsel vm0, v12, v34;
	[tilespmem:s19+$0x700] =	vst v57  }
0x10e: {  	v59 =	vsel vm0, v14, v27;
	[tilespmem:s11+$0x100] =	vst v58  }
0x10f: {  	v60 =	vsel vm0, v15, v35;
	s7 =	sshll.u32 s23, $0x13;
	[tilespmem:s11+$0x200] =	vst v59  }
0x110: {  	v61 =	vsel vm0, v17, v29;
	[tilespmem:s11+$0x300] =	vst v60;
	s7 =	sor.u32 s10, s7  }
0x111: {  	v62 =	vsel vm0, v19, v24;
	[tilespmem:s11+$0x400] =	vst v61;
	s7 =	sshrl.u32 s7, $0x3  }
0x112: {  	v63 =	vsel vm0, v20, v31;
	s15 =	simm.s32 $0x1680;
	[tilespmem:s11+$0x500] =	vst v62;
	s7 =	sadd.s32 s2, s7  }
0x113: {  	s16 =	simm.s32 $0x1780;
	[tilespmem:s11+$0x600] =	vst v63;
	s11 =	simm.s32 $0x10;
	s18 =	sadd.s32 $0x0, s7  }
.LBB2_9:
0x114: {  	[hbm4b:s18+s3] =	stream.linear.scatter [tilespmem:s15], [sflag:$0x4], $0x80, $0x38;
	[tilespmem:$0x9600] =	vst v63  }
0x115: {  	s18 =	smov.u32 s11;
	s15 =	smov.u32 s16;
	p0 =	sne.s32 s11, $0x7F0  }
.Ltmp3:
0x116: {  	s11 =	sadd.s32 $0x10, s11;
	(pc) =	sbr.rel @p0 .LBB2_9-.Ltmp3, $2  }
0x117: {  	_ =	sdelay $0x2  }
0x118: {  	s16 =	sadd.s32 $0x100, s16;
	s18 =	sadd.s32 s18, s7  }
0x119: {  	s21 =	sadd.s32 $0x1, s21  }
0x11a: {  	p0 =	sne.s32 s21, $0x64  }
.Ltmp4:
0x11b: {  	_ = 	snop;
	(pc) =	sbr.rel @p0 .LBB2_2-.Ltmp4, $2  }
0x11c: {  	_ =	sdelay $0x2  }
0x11d: {  	[hbm4b:s18+s3] =	stream.linear.scatter [tilespmem:s15], [sflag:$0x4], $0x80, $0x38;
	[tilespmem:$0x9600] =	vst v63  }
0x11e: {  	s7 =	simm.s32 $0x3  }
0x11f: {  	_ =	swait.ge [sflag:s7], $0x4000  }
0x120: {  	[sflag:s7] =	ssyncset.done $0x0  }
0x121: {  	[sflag:s7] =	ssyncadd.s32 $0xFFFFC000  }
0x122: {  	_ =	swait.ge [sflag:s17], $0x4000  }
0x123: {  	s11 =	rddreg [dreg:$0xe]  }
0x124: {  	s26 =	rddreg [dreg:$0x6];
	s11 =	sadd.s32 $0x1, s11  }
0x125: {  	p0 =	sne.s32 s11, s26  }
.Ltmp5:
0x126: {  	_ = 	snop;
	(pc) =	sbr.rel @p0 .LBB2_1-.Ltmp5, $3  }
0x127: {  	_ =	sdelay $0x1  }
0x128: {  	[sflag:s17] =	ssyncset.done $0x0  }
0x129: {  	[sflag:s17] =	ssyncadd.s32 $0xFFFFC000  }
0x12a: {  	_ =	sfence.sel $0x180000  }
0x12b: {  	[bflag:$0x0] =	sbarrier.arrive $0xFFFF  }
0x12c: {  	_ =	strace $0x90000047  }
0x12d: {  	s0 =	stileid.u32;
	[bflag:$0x2] =	sbarrier.arrive $0xFFFF  }
0x12e: {  	p0 =	sne.s32 s0, $0x0;
	s0 =	rddreg [dreg:$0x3]  }
0x12f: {  	s0 =	sadd.s32 @!p0 $0x100000, s0  }
0x130: {  	[sflag:s0] =	ssyncadd.tile.s32 @!p0 $0x1;
	_ =	shalt  }
.Lfunc_end2:
_tile_overlayer_lowered:
.L_overlay_start_2:
0x131: {  	(tag) =	ssettag $0x2  }
0x132: {  	s0 =	rddreg [dreg:$0x0];
	s2 =	stileid.u32  }
0x133: {  	s1 =	rddreg [dreg:$0x1];
	p0 =	sne.s32 s2, $0x0  }
0x134: {  	s3 =	rddreg [dreg:$0x2];
	[bflag:$0x3] =	sbarrier.arrive $0xFFFF;
	s2 =	simm.s32 @!p0 $0x1C05  }
0x135: {  	[timem:s3], [sflag:s2] =	dma.local @!p0 [hbm:s0], s1  }
0x136: {  	s0 =	simm.s32 @!p0 $0x5  }
0x137: {  	_ =	swait.ge @!p0 [sflag:s0], s1  }
0x138: {  	s1 =	ssub.s32 @!p0 $0x0, s1;
	[sflag:s0] =	ssyncset.done @!p0 $0x0  }
0x139: {  	[sflag:s0] =	ssyncadd.s32 @!p0 s1  }
0x13a: {  	[bflag:$0x3] =	sbarrier.arrive $0xFFFF  }
0x13b: {  	_ =	shalt  }

</sc_bundles>
